<compile_context>
chip_gen: v7x
topology: tpu7x:2x2x1
jax: 0.10.2.dev20260603
libtpu: 0.0.44.dev20260713+nightly
codegen_flags: <defaults>
</compile_context>

<pallas_src>
import functools

import jax
import jax.numpy as jnp
from jax import lax
from jax.experimental import pallas as pl
from jax.experimental.pallas import tpu as pltpu
from jax.experimental.pallas import tpu_sc as plsc

_SC_PARAMS = pltpu.CompilerParams(use_tc_tiling_on_sc=False)

N_NODES = 10000
D = 128
N_EDGES = 320000

NC = 2
NS = 16
NW = NC * NS
EDGES_PER_W = N_EDGES // NW
CHUNK = 40
NCHUNK = EDGES_PER_W // CHUNK
NCHUNK_G = N_EDGES // CHUNK
ROWS_PER_SUB = N_NODES // NS
DEG_W = 16
NBUF = 6
NMAIN = (NCHUNK // NBUF) * NBUF
ZROWS = 25
DEG_Q = 8


def _sc_degree(dst):
    mesh = plsc.VectorSubcoreMesh(core_axis_name="c", subcore_axis_name="s")

    @functools.partial(
        pl.kernel,
        out_type=jax.ShapeDtypeStruct((NC, N_NODES, D), jnp.float32),
        mesh=mesh,
        scratch_types=[
            pltpu.VMEM((EDGES_PER_W,), jnp.int32),
            pltpu.VMEM((CHUNK, DEG_W), jnp.float32),
            pltpu.VMEM((ROWS_PER_SUB, DEG_W), jnp.float32),
            pltpu.VMEM_SHARED((N_NODES, DEG_W), jnp.float32),
            pltpu.SemaphoreType.DMA,
        ],
        compiler_params=_SC_PARAMS,
    )
    def deg_kernel(dst_hbm, out_hbm, idx_v, ones_v, zbuf_v, table_sh, sem):
        cid = lax.axis_index("c")
        sid = lax.axis_index("s")
        wid = sid * NC + cid

        pltpu.sync_copy(
            dst_hbm.at[pl.ds(wid * EDGES_PER_W, EDGES_PER_W)], idx_v)

        @pl.loop(0, CHUNK)
        def _(i):
            ones_v[i, :] = jnp.ones((DEG_W,), jnp.float32)

        @pl.loop(0, ROWS_PER_SUB)
        def _(i):
            zbuf_v[i, :] = jnp.zeros((DEG_W,), jnp.float32)

        pltpu.sync_copy(zbuf_v, table_sh.at[pl.ds(sid * ROWS_PER_SUB, ROWS_PER_SUB)])
        plsc.subcore_barrier()

        @pl.loop(0, NCHUNK)
        def _(c):
            @pl.when(c >= DEG_Q)
            def _():
                pltpu.make_async_copy(
                    ones_v,
                    table_sh.at[idx_v.at[pl.ds((c - DEG_Q) * CHUNK, CHUNK)]],
                    sem).wait()

            pltpu.async_copy(
                ones_v, table_sh.at[idx_v.at[pl.ds(c * CHUNK, CHUNK)]],
                sem, add=True)

        @pl.loop(NCHUNK - DEG_Q, NCHUNK)
        def _(c):
            pltpu.make_async_copy(
                ones_v, table_sh.at[idx_v.at[pl.ds(c * CHUNK, CHUNK)]],
                sem).wait()

        plsc.subcore_barrier()
        pltpu.sync_copy(
            table_sh.at[pl.ds(sid * ROWS_PER_SUB, ROWS_PER_SUB)],
            out_hbm.at[cid, pl.ds(sid * ROWS_PER_SUB, ROWS_PER_SUB),
                       pl.ds(0, DEG_W)],
        )

    return deg_kernel(dst)


def _sc_messages(src, dst, yw):
    mesh = plsc.VectorSubcoreMesh(core_axis_name="c", subcore_axis_name="s")

    @functools.partial(
        pl.kernel,
        out_type=jax.ShapeDtypeStruct((NC, N_NODES, D), jnp.float32),
        mesh=mesh,
        scratch_types=[
            pltpu.VMEM((EDGES_PER_W,), jnp.int32),
            pltpu.VMEM((EDGES_PER_W,), jnp.int32),
            [pltpu.VMEM((CHUNK, D), jnp.float32) for _ in range(NBUF)],
            pltpu.VMEM_SHARED((N_NODES, D), jnp.float32),
            [pltpu.SemaphoreType.DMA for _ in range(NBUF)],
            [pltpu.SemaphoreType.DMA for _ in range(NBUF)],
        ],
        compiler_params=_SC_PARAMS,
    )
    def msg_kernel(src_hbm, dst_hbm, yw_hbm, out_hbm,
                   sidx_v, didx_v, rows, acc_sh, gsems, ssems):
        cid = lax.axis_index("c")
        sid = lax.axis_index("s")
        wid = sid * NC + cid

        pltpu.sync_copy(
            src_hbm.at[pl.ds(wid * EDGES_PER_W, EDGES_PER_W)], sidx_v)
        pltpu.sync_copy(
            dst_hbm.at[pl.ds(wid * EDGES_PER_W, EDGES_PER_W)], didx_v)

        @pl.when(cid == 1)
        def _():
            @pl.loop(0, CHUNK)
            def _(i):
                @pl.loop(0, D // 16)
                def _(k):
                    rows[0][i, pl.ds(k * 16, 16)] = jnp.zeros((16,), jnp.float32)

            @pl.loop(0, ROWS_PER_SUB // CHUNK)
            def _(t):
                pltpu.sync_copy(
                    rows[0],
                    acc_sh.at[pl.ds(sid * ROWS_PER_SUB + t * CHUNK, CHUNK)])

            pltpu.sync_copy(
                rows[0].at[pl.ds(0, ROWS_PER_SUB % CHUNK)],
                acc_sh.at[pl.ds(
                    sid * ROWS_PER_SUB + (ROWS_PER_SUB // CHUNK) * CHUNK,
                    ROWS_PER_SUB % CHUNK)])

        for b in range(NBUF):
            pltpu.async_copy(
                yw_hbm.at[sidx_v.at[pl.ds(b * CHUNK, CHUNK)]], rows[b], gsems[b])

        @pl.when(cid == 0)
        def _():
            pltpu.sync_copy(
                yw_hbm.at[pl.ds(sid * ROWS_PER_SUB, ROWS_PER_SUB)],
                acc_sh.at[pl.ds(sid * ROWS_PER_SUB, ROWS_PER_SUB)])

        plsc.subcore_barrier()

        @pl.loop(0, NMAIN, step=NBUF)
        def _(j):
            for b in range(NBUF):
                c = j + b
                pltpu.make_async_copy(
                    yw_hbm.at[sidx_v.at[pl.ds(c * CHUNK, CHUNK)]],
                    rows[b], gsems[b]).wait()
                pltpu.async_copy(
                    rows[b], acc_sh.at[didx_v.at[pl.ds(c * CHUNK, CHUNK)]],
                    ssems[b], add=True)

                @pl.when(c + NBUF < NCHUNK)
                def _():
                    pltpu.make_async_copy(
                        rows[b], acc_sh.at[didx_v.at[pl.ds(c * CHUNK, CHUNK)]],
                        ssems[b]).wait()
                    pltpu.async_copy(
                        yw_hbm.at[sidx_v.at[pl.ds((c + NBUF) * CHUNK, CHUNK)]],
                        rows[b], gsems[b])

        for c in range(NMAIN, NCHUNK):
            b = c % NBUF
            pltpu.make_async_copy(
                yw_hbm.at[sidx_v.at[pl.ds(c * CHUNK, CHUNK)]],
                rows[b], gsems[b]).wait()
            pltpu.async_copy(
                rows[b], acc_sh.at[didx_v.at[pl.ds(c * CHUNK, CHUNK)]],
                ssems[b], add=True)

        for b in range(NBUF):
            c = NCHUNK - NBUF + b if NCHUNK % NBUF == 0 else (
                NMAIN + b if b < NCHUNK - NMAIN else NMAIN - NBUF + b)
            pltpu.make_async_copy(
                rows[b], acc_sh.at[didx_v.at[pl.ds(c * CHUNK, CHUNK)]],
                ssems[b]).wait()

        plsc.subcore_barrier()
        pltpu.sync_copy(
            acc_sh.at[pl.ds(sid * ROWS_PER_SUB, ROWS_PER_SUB)],
            out_hbm.at[cid, pl.ds(sid * ROWS_PER_SUB, ROWS_PER_SUB)],
        )

    return msg_kernel(src, dst, yw)


_TC_BLK = 2000
_SPLIT_BLK = 64000


def _tc_split(ei):

    def body(e_ref, s_ref, d_ref):
        s_ref[...] = e_ref[0, :]
        d_ref[...] = e_ref[1, :]

    return pl.pallas_call(
        body,
        out_shape=[
            jax.ShapeDtypeStruct((N_EDGES,), jnp.int32),
            jax.ShapeDtypeStruct((N_EDGES,), jnp.int32),
        ],
    )(ei)


def _tc_mm(x, W):

    def body(x_ref, w_ref, xw_ref):
        xw_ref[...] = jnp.dot(x_ref[...], w_ref[...],
                              preferred_element_type=jnp.float32,
                              precision=lax.Precision.DEFAULT)

    return pl.pallas_call(
        body,
        grid=(N_NODES // _TC_BLK,),
        in_specs=[
            pl.BlockSpec((_TC_BLK, D), lambda i: (i, 0)),
            pl.BlockSpec((D, D), lambda i: (0, 0)),
        ],
        out_specs=pl.BlockSpec((_TC_BLK, D), lambda i: (i, 0)),
        out_shape=jax.ShapeDtypeStruct((N_NODES, D), jnp.float32),
    )(x, W)


def _tc_scale(xw, degtab):

    def body(xw_ref, deg_ref, yw_ref):
        deg = deg_ref[0, :, 0:1] + deg_ref[1, :, 0:1] + 1.0
        yw_ref[...] = xw_ref[...] * lax.rsqrt(deg)

    return pl.pallas_call(
        body,
        grid=(N_NODES // _TC_BLK,),
        in_specs=[
            pl.BlockSpec((_TC_BLK, D), lambda i: (i, 0)),
            pl.BlockSpec((NC, _TC_BLK, D), lambda i: (0, i, 0)),
        ],
        out_specs=pl.BlockSpec((_TC_BLK, D), lambda i: (i, 0)),
        out_shape=jax.ShapeDtypeStruct((N_NODES, D), jnp.float32),
    )(xw, degtab)


def _tc_final(S, degtab, b2d):

    def body(s_ref, deg_ref, b_ref, o_ref):
        deg = deg_ref[0, :, 0:1] + deg_ref[1, :, 0:1] + 1.0
        disq = lax.rsqrt(deg)
        tot = s_ref[0] + s_ref[1]
        o_ref[...] = jnp.maximum(tot * disq + b_ref[...], 0.0)

    return pl.pallas_call(
        body,
        grid=(N_NODES // _TC_BLK,),
        in_specs=[
            pl.BlockSpec((NC, _TC_BLK, D), lambda i: (0, i, 0)),
            pl.BlockSpec((NC, _TC_BLK, D), lambda i: (0, i, 0)),
            pl.BlockSpec((1, D), lambda i: (0, 0)),
        ],
        out_specs=pl.BlockSpec((_TC_BLK, D), lambda i: (i, 0)),
        out_shape=jax.ShapeDtypeStruct((N_NODES, D), jnp.float32),
    )(S, degtab, b2d)


def kernel(x, edge_index, W, b):
    ei = edge_index.astype(jnp.int32)
    src, dst = _tc_split(ei)
    xw = _tc_mm(x, W)
    degtab = _sc_degree(dst)
    yw = _tc_scale(xw, degtab)
    S = _sc_messages(src, dst, yw)
    return _tc_final(S, degtab, b.reshape(1, D))

# --- scband reference (transcript-rebuilt; emitter-appended) ---
"""Pipeline reference for scband-gcnlayer-84181359002199 (READ-ONLY COPY).

The authoritative reference and input builder live on the scoring server;
editing this copy changes nothing except your own understanding.
"""

import jax, jax.numpy as jnp
import numpy as np

N_NODES = 10000
N_EDGES = 320000
D_IN = 128
D_OUT = 128


def setup_inputs(seed: int = 0) -> dict:
    key = jax.random.key(seed)
    k1, k2, k3, k4 = jax.random.split(key, 4)
    x = jax.random.normal(k1, (N_NODES, D_IN), dtype=jnp.float32)
    edge_index = jax.random.randint(k2, (2, N_EDGES), 0, N_NODES, dtype=jnp.int64)
    # GCNConv learned parameters (glorot-style init for W, zeros for bias)
    W = jax.random.normal(k3, (D_IN, D_OUT), dtype=jnp.float32) * (1.0 / np.sqrt(D_IN))
    b = jnp.zeros((D_OUT,), dtype=jnp.float32)
    return {"x": x, "edge_index": edge_index, "W": W, "b": b}


def reference(x, edge_index, W, b):
    N = x.shape[0]
    # Linear transform first (standard GCNConv)
    xw = x @ W
    # Add self loops
    loop = jnp.arange(N, dtype=edge_index.dtype)
    src = jnp.concatenate([edge_index[0], loop])
    dst = jnp.concatenate([edge_index[1], loop])
    # Symmetric normalization: deg computed on destination nodes (incl. self loops)
    deg = jnp.zeros((N,), dtype=xw.dtype).at[dst].add(1.0)
    deg_inv_sqrt = jnp.where(deg > 0, 1.0 / jnp.sqrt(deg), 0.0)
    norm = deg_inv_sqrt[src] * deg_inv_sqrt[dst]
    # Gather source features, scale, scatter-add to destination
    msgs = xw[src] * norm[:, None]
    out = jnp.zeros((N, xw.shape[1]), dtype=xw.dtype).at[dst].add(msgs)
    out = out + b
    # ReLU from GCNLayer.forward
    return jax.nn.relu(out)

if __name__ == "__main__":
    import jax
    _d = setup_inputs()
    print(jax.jit(kernel)(*tuple(_d.values())))

</pallas_src>

<mosaic_0001>
#map = affine_map<(d0, d1) -> (0)>
#map1 = affine_map<(d0, d1) -> (0, 0, 0)>
module attributes {stable_mosaic.version = 14 : i64} {
  func.func @deg_kernel(%arg0: i32, %arg1: i32, %arg2: memref<320000xi32, #tpu.memory_space<hbm>>, %arg3: memref<2x10000x128xf32, #tpu.memory_space<hbm>>, %arg4: memref<10000xi32, #tpu.memory_space<vmem>>, %arg5: memref<40x16xf32, #tpu.memory_space<vmem>>, %arg6: memref<625x16xf32, #tpu.memory_space<vmem>>, %arg7: memref<10000x16xf32, #tpu.memory_space<vmem_shared>>, %arg8: memref<!tpu.dma_semaphore, #tpu.memory_space<semaphore_mem>>) attributes {dimension_semantics = [#tpu.dimension_semantics<core_parallel>, #tpu.dimension_semantics<subcore_parallel>], iteration_bounds = array<i64: 2, 16>, scalar_prefetch = 0 : i64, scratch_operands = 5 : i64, tpu.core_type = #tpu.core_type<sc_vector_subcore>, window_params = [{transform_indices = #map}, {transform_indices = #map1}]} {
    %mul3A = arith.constant 2 : i32
    %mul3A_0 = arith.muli %arg1, %mul3A : i32
    %add3A = arith.addi %mul3A_0, %arg0 : i32
    %mul3A_1 = arith.constant 10000 : i32
    %mul3A_2 = arith.muli %add3A, %mul3A_1 : i32
    "tpu.region"() ({
      %run_scoped3A = tpu.sem_alloc : memref<!tpu.dma_semaphore, #tpu.memory_space<semaphore_mem>>
      %dma_start3A = tpu.memref_slice %arg2[%mul3A_2] : memref<320000xi32, #tpu.memory_space<hbm>> -> memref<10000xi32, #tpu.memory_space<hbm>>
      %dma_start3A_29 = tpu.memref_slice %arg2[%mul3A_2] : memref<320000xi32, #tpu.memory_space<hbm>> -> memref<10000xi32, #tpu.memory_space<hbm>>
      tpu.enqueue_dma source(%dma_start3A_29 : memref<10000xi32, #tpu.memory_space<hbm>>) target(%arg4 : memref<10000xi32, #tpu.memory_space<vmem>>) target_semaphore(%run_scoped3A : memref<!tpu.dma_semaphore, #tpu.memory_space<semaphore_mem>>)
      %dma_wait3A = tpu.memref_slice %arg2[%mul3A_2] : memref<320000xi32, #tpu.memory_space<hbm>> -> memref<10000xi32, #tpu.memory_space<hbm>>
      %dma_wait3A_30 = tpu.memref_slice %arg2[%mul3A_2] : memref<320000xi32, #tpu.memory_space<hbm>> -> memref<10000xi32, #tpu.memory_space<hbm>>
      tpu.wait_dma2 semaphore(%run_scoped3A : memref<!tpu.dma_semaphore, #tpu.memory_space<semaphore_mem>>) src(%dma_wait3A_30 : memref<10000xi32, #tpu.memory_space<hbm>>) dst(%arg4 : memref<10000xi32, #tpu.memory_space<vmem>>)
      tpu.yield
    }) : () -> ()
    %scan3A = arith.constant 0 : i32
    %scan3A_3 = arith.constant 40 : i32
    %scan3A_4 = arith.addi %scan3A, %scan3A_3 : i32
    %scan3A_5 = arith.constant 1 : i32
    scf.for %scan3A_29 = %scan3A to %scan3A_4 step %scan3A_5  : i32 {
      %mul3A_30 = arith.constant 1 : i32
      %mul3A_31 = arith.muli %scan3A_29, %mul3A_30 : i32
      %add3A_32 = arith.constant 0 : i32
      %add3A_33 = arith.addi %add3A_32, %mul3A_31 : i32
      %broadcast_in_dim3A = arith.constant 1.000000e+00 : f32
      %broadcast_in_dim3A_34 = vector.broadcast %broadcast_in_dim3A : f32 to vector<16xf32>
      %swap3A = arith.index_cast %add3A_33 : i32 to index
      %swap3A_35 = arith.constant 0 : index
      %swap3A_36 = tpu.vector_load %arg5[%swap3A, %swap3A_35] {strides = array<i32>} : memref<40x16xf32, #tpu.memory_space<vmem>>, vector<1x16xf32>,
      %swap3A_37 = vector.shape_cast %swap3A_36 : vector<1x16xf32> to vector<16xf32>
      %swap3A_38 = vector.shape_cast %broadcast_in_dim3A_34 : vector<16xf32> to vector<1x16xf32>
      tpu.vector_store %arg5[%swap3A, %swap3A_35], %swap3A_38 {strides = array<i32>} : memref<40x16xf32, #tpu.memory_space<vmem>>, vector<1x16xf32>,
    }
    %scan3A_6 = arith.constant 40 : i32
    %scan3A_7 = arith.constant 0 : i32
    %scan3A_8 = arith.constant 625 : i32
    %scan3A_9 = arith.addi %scan3A_7, %scan3A_8 : i32
    %scan3A_10 = arith.constant 1 : i32
    scf.for %scan3A_29 = %scan3A_7 to %scan3A_9 step %scan3A_10  : i32 {
      %mul3A_30 = arith.constant 1 : i32
      %mul3A_31 = arith.muli %scan3A_29, %mul3A_30 : i32
      %add3A_32 = arith.constant 0 : i32
      %add3A_33 = arith.addi %add3A_32, %mul3A_31 : i32
      %broadcast_in_dim3A = arith.constant 0.000000e+00 : f32
      %broadcast_in_dim3A_34 = vector.broadcast %broadcast_in_dim3A : f32 to vector<16xf32>
      %swap3A = arith.index_cast %add3A_33 : i32 to index
      %swap3A_35 = arith.constant 0 : index
      %swap3A_36 = tpu.vector_load %arg6[%swap3A, %swap3A_35] {strides = array<i32>} : memref<625x16xf32, #tpu.memory_space<vmem>>, vector<1x16xf32>,
      %swap3A_37 = vector.shape_cast %swap3A_36 : vector<1x16xf32> to vector<16xf32>
      %swap3A_38 = vector.shape_cast %broadcast_in_dim3A_34 : vector<16xf32> to vector<1x16xf32>
      tpu.vector_store %arg6[%swap3A, %swap3A_35], %swap3A_38 {strides = array<i32>} : memref<625x16xf32, #tpu.memory_space<vmem>>, vector<1x16xf32>,
    }
    %scan3A_11 = arith.constant 625 : i32
    %mul3A_12 = arith.constant 625 : i32
    %mul3A_13 = arith.muli %arg1, %mul3A_12 : i32
    "tpu.region"() ({
      %run_scoped3A = tpu.sem_alloc : memref<!tpu.dma_semaphore, #tpu.memory_space<semaphore_mem>>
      %dma_start3A = arith.constant 0 : i32
      %dma_start3A_29 = tpu.memref_slice %arg7[%mul3A_13, %dma_start3A] : memref<10000x16xf32, #tpu.memory_space<vmem_shared>> -> memref<625x16xf32, #tpu.memory_space<vmem_shared>>
      %dma_start3A_30 = arith.constant 0 : i32
      %dma_start3A_31 = tpu.memref_slice %arg7[%mul3A_13, %dma_start3A_30] : memref<10000x16xf32, #tpu.memory_space<vmem_shared>> -> memref<625x16xf32, #tpu.memory_space<vmem_shared>>
      tpu.enqueue_dma source(%arg6 : memref<625x16xf32, #tpu.memory_space<vmem>>) target(%dma_start3A_31 : memref<625x16xf32, #tpu.memory_space<vmem_shared>>) target_semaphore(%run_scoped3A : memref<!tpu.dma_semaphore, #tpu.memory_space<semaphore_mem>>)
      %dma_wait3A = arith.constant 0 : i32
      %dma_wait3A_32 = tpu.memref_slice %arg7[%mul3A_13, %dma_wait3A] : memref<10000x16xf32, #tpu.memory_space<vmem_shared>> -> memref<625x16xf32, #tpu.memory_space<vmem_shared>>
      %dma_wait3A_33 = arith.constant 0 : i32
      %dma_wait3A_34 = tpu.memref_slice %arg7[%mul3A_13, %dma_wait3A_33] : memref<10000x16xf32, #tpu.memory_space<vmem_shared>> -> memref<625x16xf32, #tpu.memory_space<vmem_shared>>
      tpu.wait_dma2 semaphore(%run_scoped3A : memref<!tpu.dma_semaphore, #tpu.memory_space<semaphore_mem>>) src(%arg6 : memref<625x16xf32, #tpu.memory_space<vmem>>) dst(%dma_wait3A_34 : memref<625x16xf32, #tpu.memory_space<vmem_shared>>)
      tpu.yield
    }) : () -> ()
    %barrier3A = arith.constant 0 : index
    tpu.barrier barrier_id(%barrier3A)
    %scan3A_14 = arith.constant 0 : i32
    %scan3A_15 = arith.constant 250 : i32
    %scan3A_16 = arith.addi %scan3A_14, %scan3A_15 : i32
    %scan3A_17 = arith.constant 1 : i32
    scf.for %scan3A_29 = %scan3A_14 to %scan3A_16 step %scan3A_17  : i32 {
      %mul3A_30 = arith.constant 1 : i32
      %mul3A_31 = arith.muli %scan3A_29, %mul3A_30 : i32
      %add3A_32 = arith.constant 0 : i32
      %add3A_33 = arith.addi %add3A_32, %mul3A_31 : i32
      %ge3A = arith.constant 8 : i32
      %ge3A_34 = arith.cmpi sge, %add3A_33, %ge3A : i32
      %convert_element_type3A = arith.extui %ge3A_34 : i1 to i32
      %cond3A = arith.constant 0 : i32
      %cond3A_35 = arith.cmpi ne, %convert_element_type3A, %cond3A : i32
      scf.if %cond3A_35 {
        %sub3A = arith.constant 8 : i32
        %sub3A_41 = arith.subi %add3A_33, %sub3A : i32
        %mul3A_42 = arith.constant 40 : i32
        %mul3A_43 = arith.muli %sub3A_41, %mul3A_42 : i32
        %dma_wait3A = tpu.memref_slice %arg4[%mul3A_43] : memref<10000xi32, #tpu.memory_space<vmem>> -> memref<40xi32, #tpu.memory_space<vmem>>
        %dma_wait3A_44 = arith.constant 0 : i32
        %dma_wait3A_45 = arith.constant 0 : i32
        %dma_wait3A_46 = tpu.memref_slice %arg7[%dma_wait3A_44, %dma_wait3A_45] : memref<10000x16xf32, #tpu.memory_space<vmem_shared>> -> memref<10000x16xf32, #tpu.memory_space<vmem_shared>>
        tpu.wait_indirect_dma semaphore(%arg8 : memref<!tpu.dma_semaphore, #tpu.memory_space<semaphore_mem>>) src(%arg5 : memref<40x16xf32, #tpu.memory_space<vmem>>) dst(%dma_wait3A_46 : memref<10000x16xf32, #tpu.memory_space<vmem_shared>>)
      } else {
      }
      %mul3A_36 = arith.constant 40 : i32
      %mul3A_37 = arith.muli %add3A_33, %mul3A_36 : i32
      %dma_start3A = tpu.memref_slice %arg4[%mul3A_37] : memref<10000xi32, #tpu.memory_space<vmem>> -> memref<40xi32, #tpu.memory_space<vmem>>
      %dma_start3A_38 = arith.constant 0 : i32
      %dma_start3A_39 = arith.constant 0 : i32
      %dma_start3A_40 = tpu.memref_slice %arg7[%dma_start3A_38, %dma_start3A_39] : memref<10000x16xf32, #tpu.memory_space<vmem_shared>> -> memref<10000x16xf32, #tpu.memory_space<vmem_shared>>
      tpu.enqueue_indirect_dma source(%arg5 : memref<40x16xf32, #tpu.memory_space<vmem>>) target(%dma_start3A_40 : memref<10000x16xf32, #tpu.memory_space<vmem_shared>>) offsets(%dma_start3A : memref<40xi32, #tpu.memory_space<vmem>>) semaphore(%arg8 : memref<!tpu.dma_semaphore, #tpu.memory_space<semaphore_mem>>) {add = true}
    }
    %scan3A_18 = arith.constant 250 : i32
    %scan3A_19 = arith.constant 0 : i32
    %scan3A_20 = arith.constant 8 : i32
    %scan3A_21 = arith.addi %scan3A_19, %scan3A_20 : i32
    %scan3A_22 = arith.constant 1 : i32
    scf.for %scan3A_29 = %scan3A_19 to %scan3A_21 step %scan3A_22  : i32 {
      %mul3A_30 = arith.constant 1 : i32
      %mul3A_31 = arith.muli %scan3A_29, %mul3A_30 : i32
      %add3A_32 = arith.constant 242 : i32
      %add3A_33 = arith.addi %add3A_32, %mul3A_31 : i32
      %mul3A_34 = arith.constant 40 : i32
      %mul3A_35 = arith.muli %add3A_33, %mul3A_34 : i32
      %dma_wait3A = tpu.memref_slice %arg4[%mul3A_35] : memref<10000xi32, #tpu.memory_space<vmem>> -> memref<40xi32, #tpu.memory_space<vmem>>
      %dma_wait3A_36 = arith.constant 0 : i32
      %dma_wait3A_37 = arith.constant 0 : i32
      %dma_wait3A_38 = tpu.memref_slice %arg7[%dma_wait3A_36, %dma_wait3A_37] : memref<10000x16xf32, #tpu.memory_space<vmem_shared>> -> memref<10000x16xf32, #tpu.memory_space<vmem_shared>>
      tpu.wait_indirect_dma semaphore(%arg8 : memref<!tpu.dma_semaphore, #tpu.memory_space<semaphore_mem>>) src(%arg5 : memref<40x16xf32, #tpu.memory_space<vmem>>) dst(%dma_wait3A_38 : memref<10000x16xf32, #tpu.memory_space<vmem_shared>>)
    }
    %scan3A_23 = arith.constant 8 : i32
    %barrier3A_24 = arith.constant 0 : index
    tpu.barrier barrier_id(%barrier3A_24)
    %mul3A_25 = arith.constant 625 : i32
    %mul3A_26 = arith.muli %arg1, %mul3A_25 : i32
    %mul3A_27 = arith.constant 625 : i32
    %mul3A_28 = arith.muli %arg1, %mul3A_27 : i32
    "tpu.region"() ({
      %run_scoped3A = tpu.sem_alloc : memref<!tpu.dma_semaphore, #tpu.memory_space<semaphore_mem>>
      %dma_start3A = arith.constant 0 : i32
      %dma_start3A_29 = tpu.memref_slice %arg3[%arg0, %mul3A_28, %dma_start3A] : memref<2x10000x128xf32, #tpu.memory_space<hbm>> -> memref<1x625x16xf32, #tpu.memory_space<hbm>>
      %dma_start3A_30 = tpu.memref_squeeze %dma_start3A_29 : memref<1x625x16xf32, #tpu.memory_space<hbm>> -> memref<625x16xf32, #tpu.memory_space<hbm>>
      %dma_start3A_31 = arith.constant 0 : i32
      %dma_start3A_32 = tpu.memref_slice %arg7[%mul3A_26, %dma_start3A_31] : memref<10000x16xf32, #tpu.memory_space<vmem_shared>> -> memref<625x16xf32, #tpu.memory_space<vmem_shared>>
      tpu.enqueue_dma source(%dma_start3A_32 : memref<625x16xf32, #tpu.memory_space<vmem_shared>>) target(%dma_start3A_30 : memref<625x16xf32, #tpu.memory_space<hbm>>) target_semaphore(%run_scoped3A : memref<!tpu.dma_semaphore, #tpu.memory_space<semaphore_mem>>)
      %dma_wait3A = arith.constant 0 : i32
      %dma_wait3A_33 = tpu.memref_slice %arg3[%arg0, %mul3A_28, %dma_wait3A] : memref<2x10000x128xf32, #tpu.memory_space<hbm>> -> memref<1x625x16xf32, #tpu.memory_space<hbm>>
      %dma_wait3A_34 = tpu.memref_squeeze %dma_wait3A_33 : memref<1x625x16xf32, #tpu.memory_space<hbm>> -> memref<625x16xf32, #tpu.memory_space<hbm>>
      %dma_wait3A_35 = arith.constant 0 : i32
      %dma_wait3A_36 = tpu.memref_slice %arg7[%mul3A_26, %dma_wait3A_35] : memref<10000x16xf32, #tpu.memory_space<vmem_shared>> -> memref<625x16xf32, #tpu.memory_space<vmem_shared>>
      tpu.wait_dma2 semaphore(%run_scoped3A : memref<!tpu.dma_semaphore, #tpu.memory_space<semaphore_mem>>) src(%dma_wait3A_36 : memref<625x16xf32, #tpu.memory_space<vmem_shared>>) dst(%dma_wait3A_34 : memref<625x16xf32, #tpu.memory_space<hbm>>)
      tpu.yield
    }) : () -> ()
    return
  }
}

#map = affine_map<(d0, d1) -> (0)>
#map1 = affine_map<(d0, d1) -> (0, 0)>
#map2 = affine_map<(d0, d1) -> (0, 0, 0)>
module attributes {stable_mosaic.version = 14 : i64} {
  func.func @msg_kernel(%arg0: i32, %arg1: i32, %arg2: memref<320000xi32, #tpu.memory_space<hbm>>, %arg3: memref<320000xi32, #tpu.memory_space<hbm>>, %arg4: memref<10000x128xf32, #tpu.memory_space<hbm>>, %arg5: memref<2x10000x128xf32, #tpu.memory_space<hbm>>, %arg6: memref<10000xi32, #tpu.memory_space<vmem>>, %arg7: memref<10000xi32, #tpu.memory_space<vmem>>, %arg8: memref<40x128xf32, #tpu.memory_space<vmem>>, %arg9: memref<40x128xf32, #tpu.memory_space<vmem>>, %arg10: memref<40x128xf32, #tpu.memory_space<vmem>>, %arg11: memref<40x128xf32, #tpu.memory_space<vmem>>, %arg12: memref<40x128xf32, #tpu.memory_space<vmem>>, %arg13: memref<40x128xf32, #tpu.memory_space<vmem>>, %arg14: memref<10000x128xf32, #tpu.memory_space<vmem_shared>>, %arg15: memref<!tpu.dma_semaphore, #tpu.memory_space<semaphore_mem>>, %arg16: memref<!tpu.dma_semaphore, #tpu.memory_space<semaphore_mem>>, %arg17: memref<!tpu.dma_semaphore, #tpu.memory_space<semaphore_mem>>, %arg18: memref<!tpu.dma_semaphore, #tpu.memory_space<semaphore_mem>>, %arg19: memref<!tpu.dma_semaphore, #tpu.memory_space<semaphore_mem>>, %arg20: memref<!tpu.dma_semaphore, #tpu.memory_space<semaphore_mem>>, %arg21: memref<!tpu.dma_semaphore, #tpu.memory_space<semaphore_mem>>, %arg22: memref<!tpu.dma_semaphore, #tpu.memory_space<semaphore_mem>>, %arg23: memref<!tpu.dma_semaphore, #tpu.memory_space<semaphore_mem>>, %arg24: memref<!tpu.dma_semaphore, #tpu.memory_space<semaphore_mem>>, %arg25: memref<!tpu.dma_semaphore, #tpu.memory_space<semaphore_mem>>, %arg26: memref<!tpu.dma_semaphore, #tpu.memory_space<semaphore_mem>>) attributes {dimension_semantics = [#tpu.dimension_semantics<core_parallel>, #tpu.dimension_semantics<subcore_parallel>], iteration_bounds = array<i64: 2, 16>, scalar_prefetch = 0 : i64, scratch_operands = 21 : i64, tpu.core_type = #tpu.core_type<sc_vector_subcore>, window_params = [{transform_indices = #map}, {transform_indices = #map}, {transform_indices = #map1}, {transform_indices = #map2}]} {
    %mul3A = arith.constant 2 : i32
    %mul3A_0 = arith.muli %arg1, %mul3A : i32
    %add3A = arith.addi %mul3A_0, %arg0 : i32
    %mul3A_1 = arith.constant 10000 : i32
    %mul3A_2 = arith.muli %add3A, %mul3A_1 : i32
    "tpu.region"() ({
      %run_scoped3A = tpu.sem_alloc : memref<!tpu.dma_semaphore, #tpu.memory_space<semaphore_mem>>
      %dma_start3A_119 = tpu.memref_slice %arg2[%mul3A_2] : memref<320000xi32, #tpu.memory_space<hbm>> -> memref<10000xi32, #tpu.memory_space<hbm>>
      %dma_start3A_120 = tpu.memref_slice %arg2[%mul3A_2] : memref<320000xi32, #tpu.memory_space<hbm>> -> memref<10000xi32, #tpu.memory_space<hbm>>
      tpu.enqueue_dma source(%dma_start3A_120 : memref<10000xi32, #tpu.memory_space<hbm>>) target(%arg6 : memref<10000xi32, #tpu.memory_space<vmem>>) target_semaphore(%run_scoped3A : memref<!tpu.dma_semaphore, #tpu.memory_space<semaphore_mem>>)
      %dma_wait3A_121 = tpu.memref_slice %arg2[%mul3A_2] : memref<320000xi32, #tpu.memory_space<hbm>> -> memref<10000xi32, #tpu.memory_space<hbm>>
      %dma_wait3A_122 = tpu.memref_slice %arg2[%mul3A_2] : memref<320000xi32, #tpu.memory_space<hbm>> -> memref<10000xi32, #tpu.memory_space<hbm>>
      tpu.wait_dma2 semaphore(%run_scoped3A : memref<!tpu.dma_semaphore, #tpu.memory_space<semaphore_mem>>) src(%dma_wait3A_122 : memref<10000xi32, #tpu.memory_space<hbm>>) dst(%arg6 : memref<10000xi32, #tpu.memory_space<vmem>>)
      tpu.yield
    }) : () -> ()
    %mul3A_3 = arith.constant 10000 : i32
    %mul3A_4 = arith.muli %add3A, %mul3A_3 : i32
    "tpu.region"() ({
      %run_scoped3A = tpu.sem_alloc : memref<!tpu.dma_semaphore, #tpu.memory_space<semaphore_mem>>
      %dma_start3A_119 = tpu.memref_slice %arg3[%mul3A_4] : memref<320000xi32, #tpu.memory_space<hbm>> -> memref<10000xi32, #tpu.memory_space<hbm>>
      %dma_start3A_120 = tpu.memref_slice %arg3[%mul3A_4] : memref<320000xi32, #tpu.memory_space<hbm>> -> memref<10000xi32, #tpu.memory_space<hbm>>
      tpu.enqueue_dma source(%dma_start3A_120 : memref<10000xi32, #tpu.memory_space<hbm>>) target(%arg7 : memref<10000xi32, #tpu.memory_space<vmem>>) target_semaphore(%run_scoped3A : memref<!tpu.dma_semaphore, #tpu.memory_space<semaphore_mem>>)
      %dma_wait3A_121 = tpu.memref_slice %arg3[%mul3A_4] : memref<320000xi32, #tpu.memory_space<hbm>> -> memref<10000xi32, #tpu.memory_space<hbm>>
      %dma_wait3A_122 = tpu.memref_slice %arg3[%mul3A_4] : memref<320000xi32, #tpu.memory_space<hbm>> -> memref<10000xi32, #tpu.memory_space<hbm>>
      tpu.wait_dma2 semaphore(%run_scoped3A : memref<!tpu.dma_semaphore, #tpu.memory_space<semaphore_mem>>) src(%dma_wait3A_122 : memref<10000xi32, #tpu.memory_space<hbm>>) dst(%arg7 : memref<10000xi32, #tpu.memory_space<vmem>>)
      tpu.yield
    }) : () -> ()
    %eq3A = arith.constant 1 : i32
    %eq3A_5 = arith.cmpi eq, %arg0, %eq3A : i32
    %convert_element_type3A = arith.extui %eq3A_5 : i1 to i32
    %cond3A = arith.constant 0 : i32
    %cond3A_6 = arith.cmpi ne, %convert_element_type3A, %cond3A : i32
    scf.if %cond3A_6 {
      %scan3A_119 = arith.constant 0 : i32
      %scan3A_120 = arith.constant 40 : i32
      %scan3A_121 = arith.addi %scan3A_119, %scan3A_120 : i32
      %scan3A_122 = arith.constant 1 : i32
      scf.for %scan3A_133 = %scan3A_119 to %scan3A_121 step %scan3A_122  : i32 {
        %mul3A_134 = arith.constant 1 : i32
        %mul3A_135 = arith.muli %scan3A_133, %mul3A_134 : i32
        %add3A_136 = arith.constant 0 : i32
        %add3A_137 = arith.addi %add3A_136, %mul3A_135 : i32
        %scan3A_138 = arith.constant 0 : i32
        %scan3A_139 = arith.constant 8 : i32
        %scan3A_140 = arith.addi %scan3A_138, %scan3A_139 : i32
        %scan3A_141 = arith.constant 1 : i32
        scf.for %scan3A_143 = %scan3A_138 to %scan3A_140 step %scan3A_141  : i32 {
          %mul3A_144 = arith.constant 1 : i32
          %mul3A_145 = arith.muli %scan3A_143, %mul3A_144 : i32
          %add3A_146 = arith.constant 0 : i32
          %add3A_147 = arith.addi %add3A_146, %mul3A_145 : i32
          %broadcast_in_dim3A = arith.constant 0.000000e+00 : f32
          %broadcast_in_dim3A_148 = vector.broadcast %broadcast_in_dim3A : f32 to vector<16xf32>
          %mul3A_149 = arith.constant 16 : i32
          %mul3A_150 = arith.muli %add3A_147, %mul3A_149 : i32
          %swap3A = arith.index_cast %add3A_137 : i32 to index
          %swap3A_151 = arith.index_cast %mul3A_150 : i32 to index
          %swap3A_152 = tpu.vector_load %arg8[%swap3A, %swap3A_151] {strides = array<i32>} : memref<40x128xf32, #tpu.memory_space<vmem>>, vector<1x16xf32>,
          %swap3A_153 = vector.shape_cast %swap3A_152 : vector<1x16xf32> to vector<16xf32>
          %swap3A_154 = vector.shape_cast %broadcast_in_dim3A_148 : vector<16xf32> to vector<1x16xf32>
          tpu.vector_store %arg8[%swap3A, %swap3A_151], %swap3A_154 {strides = array<i32>} : memref<40x128xf32, #tpu.memory_space<vmem>>, vector<1x16xf32>,
        }
        %scan3A_142 = arith.constant 8 : i32
      }
      %scan3A_123 = arith.constant 40 : i32
      %scan3A_124 = arith.constant 0 : i32
      %scan3A_125 = arith.constant 15 : i32
      %scan3A_126 = arith.addi %scan3A_124, %scan3A_125 : i32
      %scan3A_127 = arith.constant 1 : i32
      scf.for %scan3A_133 = %scan3A_124 to %scan3A_126 step %scan3A_127  : i32 {
        %mul3A_134 = arith.constant 1 : i32
        %mul3A_135 = arith.muli %scan3A_133, %mul3A_134 : i32
        %add3A_136 = arith.constant 0 : i32
        %add3A_137 = arith.addi %add3A_136, %mul3A_135 : i32
        %mul3A_138 = arith.constant 625 : i32
        %mul3A_139 = arith.muli %arg1, %mul3A_138 : i32
        %mul3A_140 = arith.constant 40 : i32
        %mul3A_141 = arith.muli %add3A_137, %mul3A_140 : i32
        %add3A_142 = arith.addi %mul3A_139, %mul3A_141 : i32
        "tpu.region"() ({
          %run_scoped3A = tpu.sem_alloc : memref<!tpu.dma_semaphore, #tpu.memory_space<semaphore_mem>>
          %dma_start3A_143 = arith.constant 0 : i32
          %dma_start3A_144 = tpu.memref_slice %arg14[%add3A_142, %dma_start3A_143] : memref<10000x128xf32, #tpu.memory_space<vmem_shared>> -> memref<40x128xf32, #tpu.memory_space<vmem_shared>>
          %dma_start3A_145 = arith.constant 0 : i32
          %dma_start3A_146 = tpu.memref_slice %arg14[%add3A_142, %dma_start3A_145] : memref<10000x128xf32, #tpu.memory_space<vmem_shared>> -> memref<40x128xf32, #tpu.memory_space<vmem_shared>>
          tpu.enqueue_dma source(%arg8 : memref<40x128xf32, #tpu.memory_space<vmem>>) target(%dma_start3A_146 : memref<40x128xf32, #tpu.memory_space<vmem_shared>>) target_semaphore(%run_scoped3A : memref<!tpu.dma_semaphore, #tpu.memory_space<semaphore_mem>>)
          %dma_wait3A_147 = arith.constant 0 : i32
          %dma_wait3A_148 = tpu.memref_slice %arg14[%add3A_142, %dma_wait3A_147] : memref<10000x128xf32, #tpu.memory_space<vmem_shared>> -> memref<40x128xf32, #tpu.memory_space<vmem_shared>>
          %dma_wait3A_149 = arith.constant 0 : i32
          %dma_wait3A_150 = tpu.memref_slice %arg14[%add3A_142, %dma_wait3A_149] : memref<10000x128xf32, #tpu.memory_space<vmem_shared>> -> memref<40x128xf32, #tpu.memory_space<vmem_shared>>
          tpu.wait_dma2 semaphore(%run_scoped3A : memref<!tpu.dma_semaphore, #tpu.memory_space<semaphore_mem>>) src(%arg8 : memref<40x128xf32, #tpu.memory_space<vmem>>) dst(%dma_wait3A_150 : memref<40x128xf32, #tpu.memory_space<vmem_shared>>)
          tpu.yield
        }) : () -> ()
      }
      %scan3A_128 = arith.constant 15 : i32
      %mul3A_129 = arith.constant 625 : i32
      %mul3A_130 = arith.muli %arg1, %mul3A_129 : i32
      %add3A_131 = arith.constant 600 : i32
      %add3A_132 = arith.addi %mul3A_130, %add3A_131 : i32
      "tpu.region"() ({
        %run_scoped3A = tpu.sem_alloc : memref<!tpu.dma_semaphore, #tpu.memory_space<semaphore_mem>>
        %dma_start3A_133 = arith.constant 0 : i32
        %dma_start3A_134 = arith.constant 0 : i32
        %dma_start3A_135 = tpu.memref_slice %arg8[%dma_start3A_133, %dma_start3A_134] : memref<40x128xf32, #tpu.memory_space<vmem>> -> memref<25x128xf32, #tpu.memory_space<vmem>>
        %dma_start3A_136 = arith.constant 0 : i32
        %dma_start3A_137 = tpu.memref_slice %arg14[%add3A_132, %dma_start3A_136] : memref<10000x128xf32, #tpu.memory_space<vmem_shared>> -> memref<25x128xf32, #tpu.memory_space<vmem_shared>>
        %dma_start3A_138 = arith.constant 0 : i32
        %dma_start3A_139 = tpu.memref_slice %arg14[%add3A_132, %dma_start3A_138] : memref<10000x128xf32, #tpu.memory_space<vmem_shared>> -> memref<25x128xf32, #tpu.memory_space<vmem_shared>>
        %dma_start3A_140 = arith.constant 0 : i32
        %dma_start3A_141 = arith.constant 0 : i32
        %dma_start3A_142 = tpu.memref_slice %arg8[%dma_start3A_140, %dma_start3A_141] : memref<40x128xf32, #tpu.memory_space<vmem>> -> memref<25x128xf32, #tpu.memory_space<vmem>>
        tpu.enqueue_dma source(%dma_start3A_142 : memref<25x128xf32, #tpu.memory_space<vmem>>) target(%dma_start3A_139 : memref<25x128xf32, #tpu.memory_space<vmem_shared>>) target_semaphore(%run_scoped3A : memref<!tpu.dma_semaphore, #tpu.memory_space<semaphore_mem>>)
        %dma_wait3A_143 = arith.constant 0 : i32
        %dma_wait3A_144 = arith.constant 0 : i32
        %dma_wait3A_145 = tpu.memref_slice %arg8[%dma_wait3A_143, %dma_wait3A_144] : memref<40x128xf32, #tpu.memory_space<vmem>> -> memref<25x128xf32, #tpu.memory_space<vmem>>
        %dma_wait3A_146 = arith.constant 0 : i32
        %dma_wait3A_147 = tpu.memref_slice %arg14[%add3A_132, %dma_wait3A_146] : memref<10000x128xf32, #tpu.memory_space<vmem_shared>> -> memref<25x128xf32, #tpu.memory_space<vmem_shared>>
        %dma_wait3A_148 = arith.constant 0 : i32
        %dma_wait3A_149 = tpu.memref_slice %arg14[%add3A_132, %dma_wait3A_148] : memref<10000x128xf32, #tpu.memory_space<vmem_shared>> -> memref<25x128xf32, #tpu.memory_space<vmem_shared>>
        %dma_wait3A_150 = arith.constant 0 : i32
        %dma_wait3A_151 = arith.constant 0 : i32
        %dma_wait3A_152 = tpu.memref_slice %arg8[%dma_wait3A_150, %dma_wait3A_151] : memref<40x128xf32, #tpu.memory_space<vmem>> -> memref<25x128xf32, #tpu.memory_space<vmem>>
        tpu.wait_dma2 semaphore(%run_scoped3A : memref<!tpu.dma_semaphore, #tpu.memory_space<semaphore_mem>>) src(%dma_wait3A_152 : memref<25x128xf32, #tpu.memory_space<vmem>>) dst(%dma_wait3A_149 : memref<25x128xf32, #tpu.memory_space<vmem_shared>>)
        tpu.yield
      }) : () -> ()
    } else {
    }
    %dma_start3A = arith.constant 0 : i32
    %dma_start3A_7 = tpu.memref_slice %arg6[%dma_start3A] : memref<10000xi32, #tpu.memory_space<vmem>> -> memref<40xi32, #tpu.memory_space<vmem>>
    %dma_start3A_8 = arith.constant 0 : i32
    %dma_start3A_9 = arith.constant 0 : i32
    %dma_start3A_10 = tpu.memref_slice %arg4[%dma_start3A_8, %dma_start3A_9] : memref<10000x128xf32, #tpu.memory_space<hbm>> -> memref<10000x128xf32, #tpu.memory_space<hbm>>
    tpu.enqueue_indirect_dma source(%dma_start3A_10 : memref<10000x128xf32, #tpu.memory_space<hbm>>) target(%arg8 : memref<40x128xf32, #tpu.memory_space<vmem>>) offsets(%dma_start3A_7 : memref<40xi32, #tpu.memory_space<vmem>>) semaphore(%arg15 : memref<!tpu.dma_semaphore, #tpu.memory_space<semaphore_mem>>)
    %dma_start3A_11 = arith.constant 40 : i32
    %dma_start3A_12 = tpu.memref_slice %arg6[%dma_start3A_11] : memref<10000xi32, #tpu.memory_space<vmem>> -> memref<40xi32, #tpu.memory_space<vmem>>
    %dma_start3A_13 = arith.constant 0 : i32
    %dma_start3A_14 = arith.constant 0 : i32
    %dma_start3A_15 = tpu.memref_slice %arg4[%dma_start3A_13, %dma_start3A_14] : memref<10000x128xf32, #tpu.memory_space<hbm>> -> memref<10000x128xf32, #tpu.memory_space<hbm>>
    tpu.enqueue_indirect_dma source(%dma_start3A_15 : memref<10000x128xf32, #tpu.memory_space<hbm>>) target(%arg9 : memref<40x128xf32, #tpu.memory_space<vmem>>) offsets(%dma_start3A_12 : memref<40xi32, #tpu.memory_space<vmem>>) semaphore(%arg16 : memref<!tpu.dma_semaphore, #tpu.memory_space<semaphore_mem>>)
    %dma_start3A_16 = arith.constant 80 : i32
    %dma_start3A_17 = tpu.memref_slice %arg6[%dma_start3A_16] : memref<10000xi32, #tpu.memory_space<vmem>> -> memref<40xi32, #tpu.memory_space<vmem>>
    %dma_start3A_18 = arith.constant 0 : i32
    %dma_start3A_19 = arith.constant 0 : i32
    %dma_start3A_20 = tpu.memref_slice %arg4[%dma_start3A_18, %dma_start3A_19] : memref<10000x128xf32, #tpu.memory_space<hbm>> -> memref<10000x128xf32, #tpu.memory_space<hbm>>
    tpu.enqueue_indirect_dma source(%dma_start3A_20 : memref<10000x128xf32, #tpu.memory_space<hbm>>) target(%arg10 : memref<40x128xf32, #tpu.memory_space<vmem>>) offsets(%dma_start3A_17 : memref<40xi32, #tpu.memory_space<vmem>>) semaphore(%arg17 : memref<!tpu.dma_semaphore, #tpu.memory_space<semaphore_mem>>)
    %dma_start3A_21 = arith.constant 120 : i32
    %dma_start3A_22 = tpu.memref_slice %arg6[%dma_start3A_21] : memref<10000xi32, #tpu.memory_space<vmem>> -> memref<40xi32, #tpu.memory_space<vmem>>
    %dma_start3A_23 = arith.constant 0 : i32
    %dma_start3A_24 = arith.constant 0 : i32
    %dma_start3A_25 = tpu.memref_slice %arg4[%dma_start3A_23, %dma_start3A_24] : memref<10000x128xf32, #tpu.memory_space<hbm>> -> memref<10000x128xf32, #tpu.memory_space<hbm>>
    tpu.enqueue_indirect_dma source(%dma_start3A_25 : memref<10000x128xf32, #tpu.memory_space<hbm>>) target(%arg11 : memref<40x128xf32, #tpu.memory_space<vmem>>) offsets(%dma_start3A_22 : memref<40xi32, #tpu.memory_space<vmem>>) semaphore(%arg18 : memref<!tpu.dma_semaphore, #tpu.memory_space<semaphore_mem>>)
    %dma_start3A_26 = arith.constant 160 : i32
    %dma_start3A_27 = tpu.memref_slice %arg6[%dma_start3A_26] : memref<10000xi32, #tpu.memory_space<vmem>> -> memref<40xi32, #tpu.memory_space<vmem>>
    %dma_start3A_28 = arith.constant 0 : i32
    %dma_start3A_29 = arith.constant 0 : i32
    %dma_start3A_30 = tpu.memref_slice %arg4[%dma_start3A_28, %dma_start3A_29] : memref<10000x128xf32, #tpu.memory_space<hbm>> -> memref<10000x128xf32, #tpu.memory_space<hbm>>
    tpu.enqueue_indirect_dma source(%dma_start3A_30 : memref<10000x128xf32, #tpu.memory_space<hbm>>) target(%arg12 : memref<40x128xf32, #tpu.memory_space<vmem>>) offsets(%dma_start3A_27 : memref<40xi32, #tpu.memory_space<vmem>>) semaphore(%arg19 : memref<!tpu.dma_semaphore, #tpu.memory_space<semaphore_mem>>)
    %dma_start3A_31 = arith.constant 200 : i32
    %dma_start3A_32 = tpu.memref_slice %arg6[%dma_start3A_31] : memref<10000xi32, #tpu.memory_space<vmem>> -> memref<40xi32, #tpu.memory_space<vmem>>
    %dma_start3A_33 = arith.constant 0 : i32
    %dma_start3A_34 = arith.constant 0 : i32
    %dma_start3A_35 = tpu.memref_slice %arg4[%dma_start3A_33, %dma_start3A_34] : memref<10000x128xf32, #tpu.memory_space<hbm>> -> memref<10000x128xf32, #tpu.memory_space<hbm>>
    tpu.enqueue_indirect_dma source(%dma_start3A_35 : memref<10000x128xf32, #tpu.memory_space<hbm>>) target(%arg13 : memref<40x128xf32, #tpu.memory_space<vmem>>) offsets(%dma_start3A_32 : memref<40xi32, #tpu.memory_space<vmem>>) semaphore(%arg20 : memref<!tpu.dma_semaphore, #tpu.memory_space<semaphore_mem>>)
    %eq3A_36 = arith.constant 0 : i32
    %eq3A_37 = arith.cmpi eq, %arg0, %eq3A_36 : i32
    %convert_element_type3A_38 = arith.extui %eq3A_37 : i1 to i32
    %cond3A_39 = arith.constant 0 : i32
    %cond3A_40 = arith.cmpi ne, %convert_element_type3A_38, %cond3A_39 : i32
    scf.if %cond3A_40 {
      %mul3A_119 = arith.constant 625 : i32
      %mul3A_120 = arith.muli %arg1, %mul3A_119 : i32
      %mul3A_121 = arith.constant 625 : i32
      %mul3A_122 = arith.muli %arg1, %mul3A_121 : i32
      "tpu.region"() ({
        %run_scoped3A = tpu.sem_alloc : memref<!tpu.dma_semaphore, #tpu.memory_space<semaphore_mem>>
        %dma_start3A_123 = arith.constant 0 : i32
        %dma_start3A_124 = tpu.memref_slice %arg14[%mul3A_122, %dma_start3A_123] : memref<10000x128xf32, #tpu.memory_space<vmem_shared>> -> memref<625x128xf32, #tpu.memory_space<vmem_shared>>
        %dma_start3A_125 = arith.constant 0 : i32
        %dma_start3A_126 = tpu.memref_slice %arg4[%mul3A_120, %dma_start3A_125] : memref<10000x128xf32, #tpu.memory_space<hbm>> -> memref<625x128xf32, #tpu.memory_space<hbm>>
        tpu.enqueue_dma source(%dma_start3A_126 : memref<625x128xf32, #tpu.memory_space<hbm>>) target(%dma_start3A_124 : memref<625x128xf32, #tpu.memory_space<vmem_shared>>) target_semaphore(%run_scoped3A : memref<!tpu.dma_semaphore, #tpu.memory_space<semaphore_mem>>)
        %dma_wait3A_127 = arith.constant 0 : i32
        %dma_wait3A_128 = tpu.memref_slice %arg14[%mul3A_122, %dma_wait3A_127] : memref<10000x128xf32, #tpu.memory_space<vmem_shared>> -> memref<625x128xf32, #tpu.memory_space<vmem_shared>>
        %dma_wait3A_129 = arith.constant 0 : i32
        %dma_wait3A_130 = tpu.memref_slice %arg4[%mul3A_120, %dma_wait3A_129] : memref<10000x128xf32, #tpu.memory_space<hbm>> -> memref<625x128xf32, #tpu.memory_space<hbm>>
        tpu.wait_dma2 semaphore(%run_scoped3A : memref<!tpu.dma_semaphore, #tpu.memory_space<semaphore_mem>>) src(%dma_wait3A_130 : memref<625x128xf32, #tpu.memory_space<hbm>>) dst(%dma_wait3A_128 : memref<625x128xf32, #tpu.memory_space<vmem_shared>>)
        tpu.yield
      }) : () -> ()
    } else {
    }
    %barrier3A = arith.constant 0 : index
    tpu.barrier barrier_id(%barrier3A)
    %scan3A = arith.constant 0 : i32
    %scan3A_41 = arith.constant 41 : i32
    %scan3A_42 = arith.addi %scan3A, %scan3A_41 : i32
    %scan3A_43 = arith.constant 1 : i32
    scf.for %scan3A_119 = %scan3A to %scan3A_42 step %scan3A_43  : i32 {
      %mul3A_120 = arith.constant 6 : i32
      %mul3A_121 = arith.muli %scan3A_119, %mul3A_120 : i32
      %add3A_122 = arith.constant 0 : i32
      %add3A_123 = arith.addi %add3A_122, %mul3A_121 : i32
      %add3A_124 = arith.constant 0 : i32
      %add3A_125 = arith.addi %add3A_123, %add3A_124 : i32
      %mul3A_126 = arith.constant 40 : i32
      %mul3A_127 = arith.muli %add3A_125, %mul3A_126 : i32
      %dma_wait3A_128 = tpu.memref_slice %arg6[%mul3A_127] : memref<10000xi32, #tpu.memory_space<vmem>> -> memref<40xi32, #tpu.memory_space<vmem>>
      %dma_wait3A_129 = arith.constant 0 : i32
      %dma_wait3A_130 = arith.constant 0 : i32
      %dma_wait3A_131 = tpu.memref_slice %arg4[%dma_wait3A_129, %dma_wait3A_130] : memref<10000x128xf32, #tpu.memory_space<hbm>> -> memref<10000x128xf32, #tpu.memory_space<hbm>>
      tpu.wait_indirect_dma semaphore(%arg15 : memref<!tpu.dma_semaphore, #tpu.memory_space<semaphore_mem>>) src(%dma_wait3A_131 : memref<10000x128xf32, #tpu.memory_space<hbm>>) dst(%arg8 : memref<40x128xf32, #tpu.memory_space<vmem>>)
      %mul3A_132 = arith.constant 40 : i32
      %mul3A_133 = arith.muli %add3A_125, %mul3A_132 : i32
      %dma_start3A_134 = tpu.memref_slice %arg7[%mul3A_133] : memref<10000xi32, #tpu.memory_space<vmem>> -> memref<40xi32, #tpu.memory_space<vmem>>
      %dma_start3A_135 = arith.constant 0 : i32
      %dma_start3A_136 = arith.constant 0 : i32
      %dma_start3A_137 = tpu.memref_slice %arg14[%dma_start3A_135, %dma_start3A_136] : memref<10000x128xf32, #tpu.memory_space<vmem_shared>> -> memref<10000x128xf32, #tpu.memory_space<vmem_shared>>
      tpu.enqueue_indirect_dma source(%arg8 : memref<40x128xf32, #tpu.memory_space<vmem>>) target(%dma_start3A_137 : memref<10000x128xf32, #tpu.memory_space<vmem_shared>>) offsets(%dma_start3A_134 : memref<40xi32, #tpu.memory_space<vmem>>) semaphore(%arg21 : memref<!tpu.dma_semaphore, #tpu.memory_space<semaphore_mem>>) {add = true}
      %add3A_138 = arith.constant 6 : i32
      %add3A_139 = arith.addi %add3A_125, %add3A_138 : i32
      %lt3A = arith.constant 250 : i32
      %lt3A_140 = arith.cmpi slt, %add3A_139, %lt3A : i32
      %convert_element_type3A_141 = arith.extui %lt3A_140 : i1 to i32
      %cond3A_142 = arith.constant 0 : i32
      %cond3A_143 = arith.cmpi ne, %convert_element_type3A_141, %cond3A_142 : i32
      scf.if %cond3A_143 {
        %mul3A_249 = arith.constant 40 : i32
        %mul3A_250 = arith.muli %add3A_125, %mul3A_249 : i32
        %dma_wait3A_251 = tpu.memref_slice %arg7[%mul3A_250] : memref<10000xi32, #tpu.memory_space<vmem>> -> memref<40xi32, #tpu.memory_space<vmem>>
        %dma_wait3A_252 = arith.constant 0 : i32
        %dma_wait3A_253 = arith.constant 0 : i32
        %dma_wait3A_254 = tpu.memref_slice %arg14[%dma_wait3A_252, %dma_wait3A_253] : memref<10000x128xf32, #tpu.memory_space<vmem_shared>> -> memref<10000x128xf32, #tpu.memory_space<vmem_shared>>
        tpu.wait_indirect_dma semaphore(%arg21 : memref<!tpu.dma_semaphore, #tpu.memory_space<semaphore_mem>>) src(%arg8 : memref<40x128xf32, #tpu.memory_space<vmem>>) dst(%dma_wait3A_254 : memref<10000x128xf32, #tpu.memory_space<vmem_shared>>)
        %add3A_255 = arith.constant 6 : i32
        %add3A_256 = arith.addi %add3A_125, %add3A_255 : i32
        %mul3A_257 = arith.constant 40 : i32
        %mul3A_258 = arith.muli %add3A_256, %mul3A_257 : i32
        %dma_start3A_259 = tpu.memref_slice %arg6[%mul3A_258] : memref<10000xi32, #tpu.memory_space<vmem>> -> memref<40xi32, #tpu.memory_space<vmem>>
        %dma_start3A_260 = arith.constant 0 : i32
        %dma_start3A_261 = arith.constant 0 : i32
        %dma_start3A_262 = tpu.memref_slice %arg4[%dma_start3A_260, %dma_start3A_261] : memref<10000x128xf32, #tpu.memory_space<hbm>> -> memref<10000x128xf32, #tpu.memory_space<hbm>>
        tpu.enqueue_indirect_dma source(%dma_start3A_262 : memref<10000x128xf32, #tpu.memory_space<hbm>>) target(%arg8 : memref<40x128xf32, #tpu.memory_space<vmem>>) offsets(%dma_start3A_259 : memref<40xi32, #tpu.memory_space<vmem>>) semaphore(%arg15 : memref<!tpu.dma_semaphore, #tpu.memory_space<semaphore_mem>>)
      } else {
      }
      %add3A_144 = arith.constant 1 : i32
      %add3A_145 = arith.addi %add3A_123, %add3A_144 : i32
      %mul3A_146 = arith.constant 40 : i32
      %mul3A_147 = arith.muli %add3A_145, %mul3A_146 : i32
      %dma_wait3A_148 = tpu.memref_slice %arg6[%mul3A_147] : memref<10000xi32, #tpu.memory_space<vmem>> -> memref<40xi32, #tpu.memory_space<vmem>>
      %dma_wait3A_149 = arith.constant 0 : i32
      %dma_wait3A_150 = arith.constant 0 : i32
      %dma_wait3A_151 = tpu.memref_slice %arg4[%dma_wait3A_149, %dma_wait3A_150] : memref<10000x128xf32, #tpu.memory_space<hbm>> -> memref<10000x128xf32, #tpu.memory_space<hbm>>
      tpu.wait_indirect_dma semaphore(%arg16 : memref<!tpu.dma_semaphore, #tpu.memory_space<semaphore_mem>>) src(%dma_wait3A_151 : memref<10000x128xf32, #tpu.memory_space<hbm>>) dst(%arg9 : memref<40x128xf32, #tpu.memory_space<vmem>>)
      %mul3A_152 = arith.constant 40 : i32
      %mul3A_153 = arith.muli %add3A_145, %mul3A_152 : i32
      %dma_start3A_154 = tpu.memref_slice %arg7[%mul3A_153] : memref<10000xi32, #tpu.memory_space<vmem>> -> memref<40xi32, #tpu.memory_space<vmem>>
      %dma_start3A_155 = arith.constant 0 : i32
      %dma_start3A_156 = arith.constant 0 : i32
      %dma_start3A_157 = tpu.memref_slice %arg14[%dma_start3A_155, %dma_start3A_156] : memref<10000x128xf32, #tpu.memory_space<vmem_shared>> -> memref<10000x128xf32, #tpu.memory_space<vmem_shared>>
      tpu.enqueue_indirect_dma source(%arg9 : memref<40x128xf32, #tpu.memory_space<vmem>>) target(%dma_start3A_157 : memref<10000x128xf32, #tpu.memory_space<vmem_shared>>) offsets(%dma_start3A_154 : memref<40xi32, #tpu.memory_space<vmem>>) semaphore(%arg22 : memref<!tpu.dma_semaphore, #tpu.memory_space<semaphore_mem>>) {add = true}
      %add3A_158 = arith.constant 6 : i32
      %add3A_159 = arith.addi %add3A_145, %add3A_158 : i32
      %lt3A_160 = arith.constant 250 : i32
      %lt3A_161 = arith.cmpi slt, %add3A_159, %lt3A_160 : i32
      %convert_element_type3A_162 = arith.extui %lt3A_161 : i1 to i32
      %cond3A_163 = arith.constant 0 : i32
      %cond3A_164 = arith.cmpi ne, %convert_element_type3A_162, %cond3A_163 : i32
      scf.if %cond3A_164 {
        %mul3A_249 = arith.constant 40 : i32
        %mul3A_250 = arith.muli %add3A_145, %mul3A_249 : i32
        %dma_wait3A_251 = tpu.memref_slice %arg7[%mul3A_250] : memref<10000xi32, #tpu.memory_space<vmem>> -> memref<40xi32, #tpu.memory_space<vmem>>
        %dma_wait3A_252 = arith.constant 0 : i32
        %dma_wait3A_253 = arith.constant 0 : i32
        %dma_wait3A_254 = tpu.memref_slice %arg14[%dma_wait3A_252, %dma_wait3A_253] : memref<10000x128xf32, #tpu.memory_space<vmem_shared>> -> memref<10000x128xf32, #tpu.memory_space<vmem_shared>>
        tpu.wait_indirect_dma semaphore(%arg22 : memref<!tpu.dma_semaphore, #tpu.memory_space<semaphore_mem>>) src(%arg9 : memref<40x128xf32, #tpu.memory_space<vmem>>) dst(%dma_wait3A_254 : memref<10000x128xf32, #tpu.memory_space<vmem_shared>>)
        %add3A_255 = arith.constant 6 : i32
        %add3A_256 = arith.addi %add3A_145, %add3A_255 : i32
        %mul3A_257 = arith.constant 40 : i32
        %mul3A_258 = arith.muli %add3A_256, %mul3A_257 : i32
        %dma_start3A_259 = tpu.memref_slice %arg6[%mul3A_258] : memref<10000xi32, #tpu.memory_space<vmem>> -> memref<40xi32, #tpu.memory_space<vmem>>
        %dma_start3A_260 = arith.constant 0 : i32
        %dma_start3A_261 = arith.constant 0 : i32
        %dma_start3A_262 = tpu.memref_slice %arg4[%dma_start3A_260, %dma_start3A_261] : memref<10000x128xf32, #tpu.memory_space<hbm>> -> memref<10000x128xf32, #tpu.memory_space<hbm>>
        tpu.enqueue_indirect_dma source(%dma_start3A_262 : memref<10000x128xf32, #tpu.memory_space<hbm>>) target(%arg9 : memref<40x128xf32, #tpu.memory_space<vmem>>) offsets(%dma_start3A_259 : memref<40xi32, #tpu.memory_space<vmem>>) semaphore(%arg16 : memref<!tpu.dma_semaphore, #tpu.memory_space<semaphore_mem>>)
      } else {
      }
      %add3A_165 = arith.constant 2 : i32
      %add3A_166 = arith.addi %add3A_123, %add3A_165 : i32
      %mul3A_167 = arith.constant 40 : i32
      %mul3A_168 = arith.muli %add3A_166, %mul3A_167 : i32
      %dma_wait3A_169 = tpu.memref_slice %arg6[%mul3A_168] : memref<10000xi32, #tpu.memory_space<vmem>> -> memref<40xi32, #tpu.memory_space<vmem>>
      %dma_wait3A_170 = arith.constant 0 : i32
      %dma_wait3A_171 = arith.constant 0 : i32
      %dma_wait3A_172 = tpu.memref_slice %arg4[%dma_wait3A_170, %dma_wait3A_171] : memref<10000x128xf32, #tpu.memory_space<hbm>> -> memref<10000x128xf32, #tpu.memory_space<hbm>>
      tpu.wait_indirect_dma semaphore(%arg17 : memref<!tpu.dma_semaphore, #tpu.memory_space<semaphore_mem>>) src(%dma_wait3A_172 : memref<10000x128xf32, #tpu.memory_space<hbm>>) dst(%arg10 : memref<40x128xf32, #tpu.memory_space<vmem>>)
      %mul3A_173 = arith.constant 40 : i32
      %mul3A_174 = arith.muli %add3A_166, %mul3A_173 : i32
      %dma_start3A_175 = tpu.memref_slice %arg7[%mul3A_174] : memref<10000xi32, #tpu.memory_space<vmem>> -> memref<40xi32, #tpu.memory_space<vmem>>
      %dma_start3A_176 = arith.constant 0 : i32
      %dma_start3A_177 = arith.constant 0 : i32
      %dma_start3A_178 = tpu.memref_slice %arg14[%dma_start3A_176, %dma_start3A_177] : memref<10000x128xf32, #tpu.memory_space<vmem_shared>> -> memref<10000x128xf32, #tpu.memory_space<vmem_shared>>
      tpu.enqueue_indirect_dma source(%arg10 : memref<40x128xf32, #tpu.memory_space<vmem>>) target(%dma_start3A_178 : memref<10000x128xf32, #tpu.memory_space<vmem_shared>>) offsets(%dma_start3A_175 : memref<40xi32, #tpu.memory_space<vmem>>) semaphore(%arg23 : memref<!tpu.dma_semaphore, #tpu.memory_space<semaphore_mem>>) {add = true}
      %add3A_179 = arith.constant 6 : i32
      %add3A_180 = arith.addi %add3A_166, %add3A_179 : i32
      %lt3A_181 = arith.constant 250 : i32
      %lt3A_182 = arith.cmpi slt, %add3A_180, %lt3A_181 : i32
      %convert_element_type3A_183 = arith.extui %lt3A_182 : i1 to i32
      %cond3A_184 = arith.constant 0 : i32
      %cond3A_185 = arith.cmpi ne, %convert_element_type3A_183, %cond3A_184 : i32
      scf.if %cond3A_185 {
        %mul3A_249 = arith.constant 40 : i32
        %mul3A_250 = arith.muli %add3A_166, %mul3A_249 : i32
        %dma_wait3A_251 = tpu.memref_slice %arg7[%mul3A_250] : memref<10000xi32, #tpu.memory_space<vmem>> -> memref<40xi32, #tpu.memory_space<vmem>>
        %dma_wait3A_252 = arith.constant 0 : i32
        %dma_wait3A_253 = arith.constant 0 : i32
        %dma_wait3A_254 = tpu.memref_slice %arg14[%dma_wait3A_252, %dma_wait3A_253] : memref<10000x128xf32, #tpu.memory_space<vmem_shared>> -> memref<10000x128xf32, #tpu.memory_space<vmem_shared>>
        tpu.wait_indirect_dma semaphore(%arg23 : memref<!tpu.dma_semaphore, #tpu.memory_space<semaphore_mem>>) src(%arg10 : memref<40x128xf32, #tpu.memory_space<vmem>>) dst(%dma_wait3A_254 : memref<10000x128xf32, #tpu.memory_space<vmem_shared>>)
        %add3A_255 = arith.constant 6 : i32
        %add3A_256 = arith.addi %add3A_166, %add3A_255 : i32
        %mul3A_257 = arith.constant 40 : i32
        %mul3A_258 = arith.muli %add3A_256, %mul3A_257 : i32
        %dma_start3A_259 = tpu.memref_slice %arg6[%mul3A_258] : memref<10000xi32, #tpu.memory_space<vmem>> -> memref<40xi32, #tpu.memory_space<vmem>>
        %dma_start3A_260 = arith.constant 0 : i32
        %dma_start3A_261 = arith.constant 0 : i32
        %dma_start3A_262 = tpu.memref_slice %arg4[%dma_start3A_260, %dma_start3A_261] : memref<10000x128xf32, #tpu.memory_space<hbm>> -> memref<10000x128xf32, #tpu.memory_space<hbm>>
        tpu.enqueue_indirect_dma source(%dma_start3A_262 : memref<10000x128xf32, #tpu.memory_space<hbm>>) target(%arg10 : memref<40x128xf32, #tpu.memory_space<vmem>>) offsets(%dma_start3A_259 : memref<40xi32, #tpu.memory_space<vmem>>) semaphore(%arg17 : memref<!tpu.dma_semaphore, #tpu.memory_space<semaphore_mem>>)
      } else {
      }
      %add3A_186 = arith.constant 3 : i32
      %add3A_187 = arith.addi %add3A_123, %add3A_186 : i32
      %mul3A_188 = arith.constant 40 : i32
      %mul3A_189 = arith.muli %add3A_187, %mul3A_188 : i32
      %dma_wait3A_190 = tpu.memref_slice %arg6[%mul3A_189] : memref<10000xi32, #tpu.memory_space<vmem>> -> memref<40xi32, #tpu.memory_space<vmem>>
      %dma_wait3A_191 = arith.constant 0 : i32
      %dma_wait3A_192 = arith.constant 0 : i32
      %dma_wait3A_193 = tpu.memref_slice %arg4[%dma_wait3A_191, %dma_wait3A_192] : memref<10000x128xf32, #tpu.memory_space<hbm>> -> memref<10000x128xf32, #tpu.memory_space<hbm>>
      tpu.wait_indirect_dma semaphore(%arg18 : memref<!tpu.dma_semaphore, #tpu.memory_space<semaphore_mem>>) src(%dma_wait3A_193 : memref<10000x128xf32, #tpu.memory_space<hbm>>) dst(%arg11 : memref<40x128xf32, #tpu.memory_space<vmem>>)
      %mul3A_194 = arith.constant 40 : i32
      %mul3A_195 = arith.muli %add3A_187, %mul3A_194 : i32
      %dma_start3A_196 = tpu.memref_slice %arg7[%mul3A_195] : memref<10000xi32, #tpu.memory_space<vmem>> -> memref<40xi32, #tpu.memory_space<vmem>>
      %dma_start3A_197 = arith.constant 0 : i32
      %dma_start3A_198 = arith.constant 0 : i32
      %dma_start3A_199 = tpu.memref_slice %arg14[%dma_start3A_197, %dma_start3A_198] : memref<10000x128xf32, #tpu.memory_space<vmem_shared>> -> memref<10000x128xf32, #tpu.memory_space<vmem_shared>>
      tpu.enqueue_indirect_dma source(%arg11 : memref<40x128xf32, #tpu.memory_space<vmem>>) target(%dma_start3A_199 : memref<10000x128xf32, #tpu.memory_space<vmem_shared>>) offsets(%dma_start3A_196 : memref<40xi32, #tpu.memory_space<vmem>>) semaphore(%arg24 : memref<!tpu.dma_semaphore, #tpu.memory_space<semaphore_mem>>) {add = true}
      %add3A_200 = arith.constant 6 : i32
      %add3A_201 = arith.addi %add3A_187, %add3A_200 : i32
      %lt3A_202 = arith.constant 250 : i32
      %lt3A_203 = arith.cmpi slt, %add3A_201, %lt3A_202 : i32
      %convert_element_type3A_204 = arith.extui %lt3A_203 : i1 to i32
      %cond3A_205 = arith.constant 0 : i32
      %cond3A_206 = arith.cmpi ne, %convert_element_type3A_204, %cond3A_205 : i32
      scf.if %cond3A_206 {
        %mul3A_249 = arith.constant 40 : i32
        %mul3A_250 = arith.muli %add3A_187, %mul3A_249 : i32
        %dma_wait3A_251 = tpu.memref_slice %arg7[%mul3A_250] : memref<10000xi32, #tpu.memory_space<vmem>> -> memref<40xi32, #tpu.memory_space<vmem>>
        %dma_wait3A_252 = arith.constant 0 : i32
        %dma_wait3A_253 = arith.constant 0 : i32
        %dma_wait3A_254 = tpu.memref_slice %arg14[%dma_wait3A_252, %dma_wait3A_253] : memref<10000x128xf32, #tpu.memory_space<vmem_shared>> -> memref<10000x128xf32, #tpu.memory_space<vmem_shared>>
        tpu.wait_indirect_dma semaphore(%arg24 : memref<!tpu.dma_semaphore, #tpu.memory_space<semaphore_mem>>) src(%arg11 : memref<40x128xf32, #tpu.memory_space<vmem>>) dst(%dma_wait3A_254 : memref<10000x128xf32, #tpu.memory_space<vmem_shared>>)
        %add3A_255 = arith.constant 6 : i32
        %add3A_256 = arith.addi %add3A_187, %add3A_255 : i32
        %mul3A_257 = arith.constant 40 : i32
        %mul3A_258 = arith.muli %add3A_256, %mul3A_257 : i32
        %dma_start3A_259 = tpu.memref_slice %arg6[%mul3A_258] : memref<10000xi32, #tpu.memory_space<vmem>> -> memref<40xi32, #tpu.memory_space<vmem>>
        %dma_start3A_260 = arith.constant 0 : i32
        %dma_start3A_261 = arith.constant 0 : i32
        %dma_start3A_262 = tpu.memref_slice %arg4[%dma_start3A_260, %dma_start3A_261] : memref<10000x128xf32, #tpu.memory_space<hbm>> -> memref<10000x128xf32, #tpu.memory_space<hbm>>
        tpu.enqueue_indirect_dma source(%dma_start3A_262 : memref<10000x128xf32, #tpu.memory_space<hbm>>) target(%arg11 : memref<40x128xf32, #tpu.memory_space<vmem>>) offsets(%dma_start3A_259 : memref<40xi32, #tpu.memory_space<vmem>>) semaphore(%arg18 : memref<!tpu.dma_semaphore, #tpu.memory_space<semaphore_mem>>)
      } else {
      }
      %add3A_207 = arith.constant 4 : i32
      %add3A_208 = arith.addi %add3A_123, %add3A_207 : i32
      %mul3A_209 = arith.constant 40 : i32
      %mul3A_210 = arith.muli %add3A_208, %mul3A_209 : i32
      %dma_wait3A_211 = tpu.memref_slice %arg6[%mul3A_210] : memref<10000xi32, #tpu.memory_space<vmem>> -> memref<40xi32, #tpu.memory_space<vmem>>
      %dma_wait3A_212 = arith.constant 0 : i32
      %dma_wait3A_213 = arith.constant 0 : i32
      %dma_wait3A_214 = tpu.memref_slice %arg4[%dma_wait3A_212, %dma_wait3A_213] : memref<10000x128xf32, #tpu.memory_space<hbm>> -> memref<10000x128xf32, #tpu.memory_space<hbm>>
      tpu.wait_indirect_dma semaphore(%arg19 : memref<!tpu.dma_semaphore, #tpu.memory_space<semaphore_mem>>) src(%dma_wait3A_214 : memref<10000x128xf32, #tpu.memory_space<hbm>>) dst(%arg12 : memref<40x128xf32, #tpu.memory_space<vmem>>)
      %mul3A_215 = arith.constant 40 : i32
      %mul3A_216 = arith.muli %add3A_208, %mul3A_215 : i32
      %dma_start3A_217 = tpu.memref_slice %arg7[%mul3A_216] : memref<10000xi32, #tpu.memory_space<vmem>> -> memref<40xi32, #tpu.memory_space<vmem>>
      %dma_start3A_218 = arith.constant 0 : i32
      %dma_start3A_219 = arith.constant 0 : i32
      %dma_start3A_220 = tpu.memref_slice %arg14[%dma_start3A_218, %dma_start3A_219] : memref<10000x128xf32, #tpu.memory_space<vmem_shared>> -> memref<10000x128xf32, #tpu.memory_space<vmem_shared>>
      tpu.enqueue_indirect_dma source(%arg12 : memref<40x128xf32, #tpu.memory_space<vmem>>) target(%dma_start3A_220 : memref<10000x128xf32, #tpu.memory_space<vmem_shared>>) offsets(%dma_start3A_217 : memref<40xi32, #tpu.memory_space<vmem>>) semaphore(%arg25 : memref<!tpu.dma_semaphore, #tpu.memory_space<semaphore_mem>>) {add = true}
      %add3A_221 = arith.constant 6 : i32
      %add3A_222 = arith.addi %add3A_208, %add3A_221 : i32
      %lt3A_223 = arith.constant 250 : i32
      %lt3A_224 = arith.cmpi slt, %add3A_222, %lt3A_223 : i32
      %convert_element_type3A_225 = arith.extui %lt3A_224 : i1 to i32
      %cond3A_226 = arith.constant 0 : i32
      %cond3A_227 = arith.cmpi ne, %convert_element_type3A_225, %cond3A_226 : i32
      scf.if %cond3A_227 {
        %mul3A_249 = arith.constant 40 : i32
        %mul3A_250 = arith.muli %add3A_208, %mul3A_249 : i32
        %dma_wait3A_251 = tpu.memref_slice %arg7[%mul3A_250] : memref<10000xi32, #tpu.memory_space<vmem>> -> memref<40xi32, #tpu.memory_space<vmem>>
        %dma_wait3A_252 = arith.constant 0 : i32
        %dma_wait3A_253 = arith.constant 0 : i32
        %dma_wait3A_254 = tpu.memref_slice %arg14[%dma_wait3A_252, %dma_wait3A_253] : memref<10000x128xf32, #tpu.memory_space<vmem_shared>> -> memref<10000x128xf32, #tpu.memory_space<vmem_shared>>
        tpu.wait_indirect_dma semaphore(%arg25 : memref<!tpu.dma_semaphore, #tpu.memory_space<semaphore_mem>>) src(%arg12 : memref<40x128xf32, #tpu.memory_space<vmem>>) dst(%dma_wait3A_254 : memref<10000x128xf32, #tpu.memory_space<vmem_shared>>)
        %add3A_255 = arith.constant 6 : i32
        %add3A_256 = arith.addi %add3A_208, %add3A_255 : i32
        %mul3A_257 = arith.constant 40 : i32
        %mul3A_258 = arith.muli %add3A_256, %mul3A_257 : i32
        %dma_start3A_259 = tpu.memref_slice %arg6[%mul3A_258] : memref<10000xi32, #tpu.memory_space<vmem>> -> memref<40xi32, #tpu.memory_space<vmem>>
        %dma_start3A_260 = arith.constant 0 : i32
        %dma_start3A_261 = arith.constant 0 : i32
        %dma_start3A_262 = tpu.memref_slice %arg4[%dma_start3A_260, %dma_start3A_261] : memref<10000x128xf32, #tpu.memory_space<hbm>> -> memref<10000x128xf32, #tpu.memory_space<hbm>>
        tpu.enqueue_indirect_dma source(%dma_start3A_262 : memref<10000x128xf32, #tpu.memory_space<hbm>>) target(%arg12 : memref<40x128xf32, #tpu.memory_space<vmem>>) offsets(%dma_start3A_259 : memref<40xi32, #tpu.memory_space<vmem>>) semaphore(%arg19 : memref<!tpu.dma_semaphore, #tpu.memory_space<semaphore_mem>>)
      } else {
      }
      %add3A_228 = arith.constant 5 : i32
      %add3A_229 = arith.addi %add3A_123, %add3A_228 : i32
      %mul3A_230 = arith.constant 40 : i32
      %mul3A_231 = arith.muli %add3A_229, %mul3A_230 : i32
      %dma_wait3A_232 = tpu.memref_slice %arg6[%mul3A_231] : memref<10000xi32, #tpu.memory_space<vmem>> -> memref<40xi32, #tpu.memory_space<vmem>>
      %dma_wait3A_233 = arith.constant 0 : i32
      %dma_wait3A_234 = arith.constant 0 : i32
      %dma_wait3A_235 = tpu.memref_slice %arg4[%dma_wait3A_233, %dma_wait3A_234] : memref<10000x128xf32, #tpu.memory_space<hbm>> -> memref<10000x128xf32, #tpu.memory_space<hbm>>
      tpu.wait_indirect_dma semaphore(%arg20 : memref<!tpu.dma_semaphore, #tpu.memory_space<semaphore_mem>>) src(%dma_wait3A_235 : memref<10000x128xf32, #tpu.memory_space<hbm>>) dst(%arg13 : memref<40x128xf32, #tpu.memory_space<vmem>>)
      %mul3A_236 = arith.constant 40 : i32
      %mul3A_237 = arith.muli %add3A_229, %mul3A_236 : i32
      %dma_start3A_238 = tpu.memref_slice %arg7[%mul3A_237] : memref<10000xi32, #tpu.memory_space<vmem>> -> memref<40xi32, #tpu.memory_space<vmem>>
      %dma_start3A_239 = arith.constant 0 : i32
      %dma_start3A_240 = arith.constant 0 : i32
      %dma_start3A_241 = tpu.memref_slice %arg14[%dma_start3A_239, %dma_start3A_240] : memref<10000x128xf32, #tpu.memory_space<vmem_shared>> -> memref<10000x128xf32, #tpu.memory_space<vmem_shared>>
      tpu.enqueue_indirect_dma source(%arg13 : memref<40x128xf32, #tpu.memory_space<vmem>>) target(%dma_start3A_241 : memref<10000x128xf32, #tpu.memory_space<vmem_shared>>) offsets(%dma_start3A_238 : memref<40xi32, #tpu.memory_space<vmem>>) semaphore(%arg26 : memref<!tpu.dma_semaphore, #tpu.memory_space<semaphore_mem>>) {add = true}
      %add3A_242 = arith.constant 6 : i32
      %add3A_243 = arith.addi %add3A_229, %add3A_242 : i32
      %lt3A_244 = arith.constant 250 : i32
      %lt3A_245 = arith.cmpi slt, %add3A_243, %lt3A_244 : i32
      %convert_element_type3A_246 = arith.extui %lt3A_245 : i1 to i32
      %cond3A_247 = arith.constant 0 : i32
      %cond3A_248 = arith.cmpi ne, %convert_element_type3A_246, %cond3A_247 : i32
      scf.if %cond3A_248 {
        %mul3A_249 = arith.constant 40 : i32
        %mul3A_250 = arith.muli %add3A_229, %mul3A_249 : i32
        %dma_wait3A_251 = tpu.memref_slice %arg7[%mul3A_250] : memref<10000xi32, #tpu.memory_space<vmem>> -> memref<40xi32, #tpu.memory_space<vmem>>
        %dma_wait3A_252 = arith.constant 0 : i32
        %dma_wait3A_253 = arith.constant 0 : i32
        %dma_wait3A_254 = tpu.memref_slice %arg14[%dma_wait3A_252, %dma_wait3A_253] : memref<10000x128xf32, #tpu.memory_space<vmem_shared>> -> memref<10000x128xf32, #tpu.memory_space<vmem_shared>>
        tpu.wait_indirect_dma semaphore(%arg26 : memref<!tpu.dma_semaphore, #tpu.memory_space<semaphore_mem>>) src(%arg13 : memref<40x128xf32, #tpu.memory_space<vmem>>) dst(%dma_wait3A_254 : memref<10000x128xf32, #tpu.memory_space<vmem_shared>>)
        %add3A_255 = arith.constant 6 : i32
        %add3A_256 = arith.addi %add3A_229, %add3A_255 : i32
        %mul3A_257 = arith.constant 40 : i32
        %mul3A_258 = arith.muli %add3A_256, %mul3A_257 : i32
        %dma_start3A_259 = tpu.memref_slice %arg6[%mul3A_258] : memref<10000xi32, #tpu.memory_space<vmem>> -> memref<40xi32, #tpu.memory_space<vmem>>
        %dma_start3A_260 = arith.constant 0 : i32
        %dma_start3A_261 = arith.constant 0 : i32
        %dma_start3A_262 = tpu.memref_slice %arg4[%dma_start3A_260, %dma_start3A_261] : memref<10000x128xf32, #tpu.memory_space<hbm>> -> memref<10000x128xf32, #tpu.memory_space<hbm>>
        tpu.enqueue_indirect_dma source(%dma_start3A_262 : memref<10000x128xf32, #tpu.memory_space<hbm>>) target(%arg13 : memref<40x128xf32, #tpu.memory_space<vmem>>) offsets(%dma_start3A_259 : memref<40xi32, #tpu.memory_space<vmem>>) semaphore(%arg20 : memref<!tpu.dma_semaphore, #tpu.memory_space<semaphore_mem>>)
      } else {
      }
    }
    %scan3A_44 = arith.constant 41 : i32
    %dma_wait3A = arith.constant 9840 : i32
    %dma_wait3A_45 = tpu.memref_slice %arg6[%dma_wait3A] : memref<10000xi32, #tpu.memory_space<vmem>> -> memref<40xi32, #tpu.memory_space<vmem>>
    %dma_wait3A_46 = arith.constant 0 : i32
    %dma_wait3A_47 = arith.constant 0 : i32
    %dma_wait3A_48 = tpu.memref_slice %arg4[%dma_wait3A_46, %dma_wait3A_47] : memref<10000x128xf32, #tpu.memory_space<hbm>> -> memref<10000x128xf32, #tpu.memory_space<hbm>>
    tpu.wait_indirect_dma semaphore(%arg15 : memref<!tpu.dma_semaphore, #tpu.memory_space<semaphore_mem>>) src(%dma_wait3A_48 : memref<10000x128xf32, #tpu.memory_space<hbm>>) dst(%arg8 : memref<40x128xf32, #tpu.memory_space<vmem>>)
    %dma_start3A_49 = arith.constant 9840 : i32
    %dma_start3A_50 = tpu.memref_slice %arg7[%dma_start3A_49] : memref<10000xi32, #tpu.memory_space<vmem>> -> memref<40xi32, #tpu.memory_space<vmem>>
    %dma_start3A_51 = arith.constant 0 : i32
    %dma_start3A_52 = arith.constant 0 : i32
    %dma_start3A_53 = tpu.memref_slice %arg14[%dma_start3A_51, %dma_start3A_52] : memref<10000x128xf32, #tpu.memory_space<vmem_shared>> -> memref<10000x128xf32, #tpu.memory_space<vmem_shared>>
    tpu.enqueue_indirect_dma source(%arg8 : memref<40x128xf32, #tpu.memory_space<vmem>>) target(%dma_start3A_53 : memref<10000x128xf32, #tpu.memory_space<vmem_shared>>) offsets(%dma_start3A_50 : memref<40xi32, #tpu.memory_space<vmem>>) semaphore(%arg21 : memref<!tpu.dma_semaphore, #tpu.memory_space<semaphore_mem>>) {add = true}
    %dma_wait3A_54 = arith.constant 9880 : i32
    %dma_wait3A_55 = tpu.memref_slice %arg6[%dma_wait3A_54] : memref<10000xi32, #tpu.memory_space<vmem>> -> memref<40xi32, #tpu.memory_space<vmem>>
    %dma_wait3A_56 = arith.constant 0 : i32
    %dma_wait3A_57 = arith.constant 0 : i32
    %dma_wait3A_58 = tpu.memref_slice %arg4[%dma_wait3A_56, %dma_wait3A_57] : memref<10000x128xf32, #tpu.memory_space<hbm>> -> memref<10000x128xf32, #tpu.memory_space<hbm>>
    tpu.wait_indirect_dma semaphore(%arg16 : memref<!tpu.dma_semaphore, #tpu.memory_space<semaphore_mem>>) src(%dma_wait3A_58 : memref<10000x128xf32, #tpu.memory_space<hbm>>) dst(%arg9 : memref<40x128xf32, #tpu.memory_space<vmem>>)
    %dma_start3A_59 = arith.constant 9880 : i32
    %dma_start3A_60 = tpu.memref_slice %arg7[%dma_start3A_59] : memref<10000xi32, #tpu.memory_space<vmem>> -> memref<40xi32, #tpu.memory_space<vmem>>
    %dma_start3A_61 = arith.constant 0 : i32
    %dma_start3A_62 = arith.constant 0 : i32
    %dma_start3A_63 = tpu.memref_slice %arg14[%dma_start3A_61, %dma_start3A_62] : memref<10000x128xf32, #tpu.memory_space<vmem_shared>> -> memref<10000x128xf32, #tpu.memory_space<vmem_shared>>
    tpu.enqueue_indirect_dma source(%arg9 : memref<40x128xf32, #tpu.memory_space<vmem>>) target(%dma_start3A_63 : memref<10000x128xf32, #tpu.memory_space<vmem_shared>>) offsets(%dma_start3A_60 : memref<40xi32, #tpu.memory_space<vmem>>) semaphore(%arg22 : memref<!tpu.dma_semaphore, #tpu.memory_space<semaphore_mem>>) {add = true}
    %dma_wait3A_64 = arith.constant 9920 : i32
    %dma_wait3A_65 = tpu.memref_slice %arg6[%dma_wait3A_64] : memref<10000xi32, #tpu.memory_space<vmem>> -> memref<40xi32, #tpu.memory_space<vmem>>
    %dma_wait3A_66 = arith.constant 0 : i32
    %dma_wait3A_67 = arith.constant 0 : i32
    %dma_wait3A_68 = tpu.memref_slice %arg4[%dma_wait3A_66, %dma_wait3A_67] : memref<10000x128xf32, #tpu.memory_space<hbm>> -> memref<10000x128xf32, #tpu.memory_space<hbm>>
    tpu.wait_indirect_dma semaphore(%arg17 : memref<!tpu.dma_semaphore, #tpu.memory_space<semaphore_mem>>) src(%dma_wait3A_68 : memref<10000x128xf32, #tpu.memory_space<hbm>>) dst(%arg10 : memref<40x128xf32, #tpu.memory_space<vmem>>)
    %dma_start3A_69 = arith.constant 9920 : i32
    %dma_start3A_70 = tpu.memref_slice %arg7[%dma_start3A_69] : memref<10000xi32, #tpu.memory_space<vmem>> -> memref<40xi32, #tpu.memory_space<vmem>>
    %dma_start3A_71 = arith.constant 0 : i32
    %dma_start3A_72 = arith.constant 0 : i32
    %dma_start3A_73 = tpu.memref_slice %arg14[%dma_start3A_71, %dma_start3A_72] : memref<10000x128xf32, #tpu.memory_space<vmem_shared>> -> memref<10000x128xf32, #tpu.memory_space<vmem_shared>>
    tpu.enqueue_indirect_dma source(%arg10 : memref<40x128xf32, #tpu.memory_space<vmem>>) target(%dma_start3A_73 : memref<10000x128xf32, #tpu.memory_space<vmem_shared>>) offsets(%dma_start3A_70 : memref<40xi32, #tpu.memory_space<vmem>>) semaphore(%arg23 : memref<!tpu.dma_semaphore, #tpu.memory_space<semaphore_mem>>) {add = true}
    %dma_wait3A_74 = arith.constant 9960 : i32
    %dma_wait3A_75 = tpu.memref_slice %arg6[%dma_wait3A_74] : memref<10000xi32, #tpu.memory_space<vmem>> -> memref<40xi32, #tpu.memory_space<vmem>>
    %dma_wait3A_76 = arith.constant 0 : i32
    %dma_wait3A_77 = arith.constant 0 : i32
    %dma_wait3A_78 = tpu.memref_slice %arg4[%dma_wait3A_76, %dma_wait3A_77] : memref<10000x128xf32, #tpu.memory_space<hbm>> -> memref<10000x128xf32, #tpu.memory_space<hbm>>
    tpu.wait_indirect_dma semaphore(%arg18 : memref<!tpu.dma_semaphore, #tpu.memory_space<semaphore_mem>>) src(%dma_wait3A_78 : memref<10000x128xf32, #tpu.memory_space<hbm>>) dst(%arg11 : memref<40x128xf32, #tpu.memory_space<vmem>>)
    %dma_start3A_79 = arith.constant 9960 : i32
    %dma_start3A_80 = tpu.memref_slice %arg7[%dma_start3A_79] : memref<10000xi32, #tpu.memory_space<vmem>> -> memref<40xi32, #tpu.memory_space<vmem>>
    %dma_start3A_81 = arith.constant 0 : i32
    %dma_start3A_82 = arith.constant 0 : i32
    %dma_start3A_83 = tpu.memref_slice %arg14[%dma_start3A_81, %dma_start3A_82] : memref<10000x128xf32, #tpu.memory_space<vmem_shared>> -> memref<10000x128xf32, #tpu.memory_space<vmem_shared>>
    tpu.enqueue_indirect_dma source(%arg11 : memref<40x128xf32, #tpu.memory_space<vmem>>) target(%dma_start3A_83 : memref<10000x128xf32, #tpu.memory_space<vmem_shared>>) offsets(%dma_start3A_80 : memref<40xi32, #tpu.memory_space<vmem>>) semaphore(%arg24 : memref<!tpu.dma_semaphore, #tpu.memory_space<semaphore_mem>>) {add = true}
    %dma_wait3A_84 = arith.constant 9840 : i32
    %dma_wait3A_85 = tpu.memref_slice %arg7[%dma_wait3A_84] : memref<10000xi32, #tpu.memory_space<vmem>> -> memref<40xi32, #tpu.memory_space<vmem>>
    %dma_wait3A_86 = arith.constant 0 : i32
    %dma_wait3A_87 = arith.constant 0 : i32
    %dma_wait3A_88 = tpu.memref_slice %arg14[%dma_wait3A_86, %dma_wait3A_87] : memref<10000x128xf32, #tpu.memory_space<vmem_shared>> -> memref<10000x128xf32, #tpu.memory_space<vmem_shared>>
    tpu.wait_indirect_dma semaphore(%arg21 : memref<!tpu.dma_semaphore, #tpu.memory_space<semaphore_mem>>) src(%arg8 : memref<40x128xf32, #tpu.memory_space<vmem>>) dst(%dma_wait3A_88 : memref<10000x128xf32, #tpu.memory_space<vmem_shared>>)
    %dma_wait3A_89 = arith.constant 9880 : i32
    %dma_wait3A_90 = tpu.memref_slice %arg7[%dma_wait3A_89] : memref<10000xi32, #tpu.memory_space<vmem>> -> memref<40xi32, #tpu.memory_space<vmem>>
    %dma_wait3A_91 = arith.constant 0 : i32
    %dma_wait3A_92 = arith.constant 0 : i32
    %dma_wait3A_93 = tpu.memref_slice %arg14[%dma_wait3A_91, %dma_wait3A_92] : memref<10000x128xf32, #tpu.memory_space<vmem_shared>> -> memref<10000x128xf32, #tpu.memory_space<vmem_shared>>
    tpu.wait_indirect_dma semaphore(%arg22 : memref<!tpu.dma_semaphore, #tpu.memory_space<semaphore_mem>>) src(%arg9 : memref<40x128xf32, #tpu.memory_space<vmem>>) dst(%dma_wait3A_93 : memref<10000x128xf32, #tpu.memory_space<vmem_shared>>)
    %dma_wait3A_94 = arith.constant 9920 : i32
    %dma_wait3A_95 = tpu.memref_slice %arg7[%dma_wait3A_94] : memref<10000xi32, #tpu.memory_space<vmem>> -> memref<40xi32, #tpu.memory_space<vmem>>
    %dma_wait3A_96 = arith.constant 0 : i32
    %dma_wait3A_97 = arith.constant 0 : i32
    %dma_wait3A_98 = tpu.memref_slice %arg14[%dma_wait3A_96, %dma_wait3A_97] : memref<10000x128xf32, #tpu.memory_space<vmem_shared>> -> memref<10000x128xf32, #tpu.memory_space<vmem_shared>>
    tpu.wait_indirect_dma semaphore(%arg23 : memref<!tpu.dma_semaphore, #tpu.memory_space<semaphore_mem>>) src(%arg10 : memref<40x128xf32, #tpu.memory_space<vmem>>) dst(%dma_wait3A_98 : memref<10000x128xf32, #tpu.memory_space<vmem_shared>>)
    %dma_wait3A_99 = arith.constant 9960 : i32
    %dma_wait3A_100 = tpu.memref_slice %arg7[%dma_wait3A_99] : memref<10000xi32, #tpu.memory_space<vmem>> -> memref<40xi32, #tpu.memory_space<vmem>>
    %dma_wait3A_101 = arith.constant 0 : i32
    %dma_wait3A_102 = arith.constant 0 : i32
    %dma_wait3A_103 = tpu.memref_slice %arg14[%dma_wait3A_101, %dma_wait3A_102] : memref<10000x128xf32, #tpu.memory_space<vmem_shared>> -> memref<10000x128xf32, #tpu.memory_space<vmem_shared>>
    tpu.wait_indirect_dma semaphore(%arg24 : memref<!tpu.dma_semaphore, #tpu.memory_space<semaphore_mem>>) src(%arg11 : memref<40x128xf32, #tpu.memory_space<vmem>>) dst(%dma_wait3A_103 : memref<10000x128xf32, #tpu.memory_space<vmem_shared>>)
    %dma_wait3A_104 = arith.constant 9760 : i32
    %dma_wait3A_105 = tpu.memref_slice %arg7[%dma_wait3A_104] : memref<10000xi32, #tpu.memory_space<vmem>> -> memref<40xi32, #tpu.memory_space<vmem>>
    %dma_wait3A_106 = arith.constant 0 : i32
    %dma_wait3A_107 = arith.constant 0 : i32
    %dma_wait3A_108 = tpu.memref_slice %arg14[%dma_wait3A_106, %dma_wait3A_107] : memref<10000x128xf32, #tpu.memory_space<vmem_shared>> -> memref<10000x128xf32, #tpu.memory_space<vmem_shared>>
    tpu.wait_indirect_dma semaphore(%arg25 : memref<!tpu.dma_semaphore, #tpu.memory_space<semaphore_mem>>) src(%arg12 : memref<40x128xf32, #tpu.memory_space<vmem>>) dst(%dma_wait3A_108 : memref<10000x128xf32, #tpu.memory_space<vmem_shared>>)
    %dma_wait3A_109 = arith.constant 9800 : i32
    %dma_wait3A_110 = tpu.memref_slice %arg7[%dma_wait3A_109] : memref<10000xi32, #tpu.memory_space<vmem>> -> memref<40xi32, #tpu.memory_space<vmem>>
    %dma_wait3A_111 = arith.constant 0 : i32
    %dma_wait3A_112 = arith.constant 0 : i32
    %dma_wait3A_113 = tpu.memref_slice %arg14[%dma_wait3A_111, %dma_wait3A_112] : memref<10000x128xf32, #tpu.memory_space<vmem_shared>> -> memref<10000x128xf32, #tpu.memory_space<vmem_shared>>
    tpu.wait_indirect_dma semaphore(%arg26 : memref<!tpu.dma_semaphore, #tpu.memory_space<semaphore_mem>>) src(%arg13 : memref<40x128xf32, #tpu.memory_space<vmem>>) dst(%dma_wait3A_113 : memref<10000x128xf32, #tpu.memory_space<vmem_shared>>)
    %barrier3A_114 = arith.constant 0 : index
    tpu.barrier barrier_id(%barrier3A_114)
    %mul3A_115 = arith.constant 625 : i32
    %mul3A_116 = arith.muli %arg1, %mul3A_115 : i32
    %mul3A_117 = arith.constant 625 : i32
    %mul3A_118 = arith.muli %arg1, %mul3A_117 : i32
    "tpu.region"() ({
      %run_scoped3A = tpu.sem_alloc : memref<!tpu.dma_semaphore, #tpu.memory_space<semaphore_mem>>
      %dma_start3A_119 = arith.constant 0 : i32
      %dma_start3A_120 = tpu.memref_slice %arg5[%arg0, %mul3A_118, %dma_start3A_119] : memref<2x10000x128xf32, #tpu.memory_space<hbm>> -> memref<1x625x128xf32, #tpu.memory_space<hbm>>
      %dma_start3A_121 = tpu.memref_squeeze %dma_start3A_120 : memref<1x625x128xf32, #tpu.memory_space<hbm>> -> memref<625x128xf32, #tpu.memory_space<hbm>>
      %dma_start3A_122 = arith.constant 0 : i32
      %dma_start3A_123 = tpu.memref_slice %arg14[%mul3A_116, %dma_start3A_122] : memref<10000x128xf32, #tpu.memory_space<vmem_shared>> -> memref<625x128xf32, #tpu.memory_space<vmem_shared>>
      tpu.enqueue_dma source(%dma_start3A_123 : memref<625x128xf32, #tpu.memory_space<vmem_shared>>) target(%dma_start3A_121 : memref<625x128xf32, #tpu.memory_space<hbm>>) target_semaphore(%run_scoped3A : memref<!tpu.dma_semaphore, #tpu.memory_space<semaphore_mem>>)
      %dma_wait3A_124 = arith.constant 0 : i32
      %dma_wait3A_125 = tpu.memref_slice %arg5[%arg0, %mul3A_118, %dma_wait3A_124] : memref<2x10000x128xf32, #tpu.memory_space<hbm>> -> memref<1x625x128xf32, #tpu.memory_space<hbm>>
      %dma_wait3A_126 = tpu.memref_squeeze %dma_wait3A_125 : memref<1x625x128xf32, #tpu.memory_space<hbm>> -> memref<625x128xf32, #tpu.memory_space<hbm>>
      %dma_wait3A_127 = arith.constant 0 : i32
      %dma_wait3A_128 = tpu.memref_slice %arg14[%mul3A_116, %dma_wait3A_127] : memref<10000x128xf32, #tpu.memory_space<vmem_shared>> -> memref<625x128xf32, #tpu.memory_space<vmem_shared>>
      tpu.wait_dma2 semaphore(%run_scoped3A : memref<!tpu.dma_semaphore, #tpu.memory_space<semaphore_mem>>) src(%dma_wait3A_128 : memref<625x128xf32, #tpu.memory_space<vmem_shared>>) dst(%dma_wait3A_126 : memref<625x128xf32, #tpu.memory_space<hbm>>)
      tpu.yield
    }) : () -> ()
    return
  }
}

module attributes {stable_mosaic.version = 14 : i64} {
  func.func @body(%arg0: memref<2x320000xi32, #tpu.memory_space<vmem>>, %arg1: memref<320000xi32, #tpu.memory_space<vmem>>, %arg2: memref<320000xi32, #tpu.memory_space<vmem>>) attributes {dimension_semantics = [], scalar_prefetch = 0 : i64, scratch_operands = 0 : i64, tpu.core_type = #tpu.core_type<tc>} {
    %get3A = arith.constant 0 : index
    %get3A_0 = arith.constant 0 : index
    %get3A_1 = vector.load %arg0[%get3A, %get3A_0] : memref<2x320000xi32, #tpu.memory_space<vmem>>, vector<1x320000xi32>
    %get3A_2 = vector.shape_cast %get3A_1 : vector<1x320000xi32> to vector<320000xi32>
    %swap3A = arith.constant 0 : index
    %swap3A_3 = vector.load %arg1[%swap3A] : memref<320000xi32, #tpu.memory_space<vmem>>, vector<320000xi32>
    tpu.vector_store %arg1[%swap3A], %get3A_2 {strides = array<i32>} : memref<320000xi32, #tpu.memory_space<vmem>>, vector<320000xi32>,
    %get3A_4 = arith.constant 1 : index
    %get3A_5 = arith.constant 0 : index
    %get3A_6 = vector.load %arg0[%get3A_4, %get3A_5] : memref<2x320000xi32, #tpu.memory_space<vmem>>, vector<1x320000xi32>
    %get3A_7 = vector.shape_cast %get3A_6 : vector<1x320000xi32> to vector<320000xi32>
    %swap3A_8 = arith.constant 0 : index
    %swap3A_9 = vector.load %arg2[%swap3A_8] : memref<320000xi32, #tpu.memory_space<vmem>>, vector<320000xi32>
    tpu.vector_store %arg2[%swap3A_8], %get3A_7 {strides = array<i32>} : memref<320000xi32, #tpu.memory_space<vmem>>, vector<320000xi32>,
    return
  }
}

module attributes {stable_mosaic.version = 14 : i64} {
  func.func @body(%arg0: i32, %arg1: memref<2000x128xf32, #tpu.memory_space<vmem>>, %arg2: memref<128x128xf32, #tpu.memory_space<vmem>>, %arg3: memref<2000x128xf32, #tpu.memory_space<vmem>>) attributes {dimension_semantics = [#tpu.dimension_semantics<arbitrary>], iteration_bounds = array<i64: 5>, scalar_prefetch = 0 : i64, scratch_operands = 0 : i64, tpu.core_type = #tpu.core_type<tc>, window_params = [{transform_indices = @transform_0, window_bounds = array<i64: 2000, 128>}, {pipeline_mode = #tpu.pipeline_mode<synchronous>, transform_indices = @transform_1, window_bounds = array<i64: 128, 128>}, {transform_indices = @transform_2, window_bounds = array<i64: 2000, 128>}]} {
    %get3A = arith.constant 0 : index
    %get3A_0 = arith.constant 0 : index
    %get3A_1 = vector.load %arg1[%get3A, %get3A_0] : memref<2000x128xf32, #tpu.memory_space<vmem>>, vector<2000x128xf32>
    %get3A_2 = arith.constant 0 : index
    %get3A_3 = arith.constant 0 : index
    %get3A_4 = vector.load %arg2[%get3A_2, %get3A_3] : memref<128x128xf32, #tpu.memory_space<vmem>>, vector<128x128xf32>
    %dot_general3A = arith.constant dense<0.000000e+00> : vector<2000x128xf32>
    %dot_general3A_5 = tpu.matmul %get3A_1, %get3A_4, %dot_general3A {dimension_numbers = #tpu.dot_dimension_numbers<[1], [0], [0], [1], [0, 0, 1, 1], [], []>, transpose_lhs_hint = false} : vector<2000x128xf32>, vector<128x128xf32>, vector<2000x128xf32> -> vector<2000x128xf32>
    %swap3A = arith.constant 0 : index
    %swap3A_6 = arith.constant 0 : index
    %swap3A_7 = vector.load %arg3[%swap3A, %swap3A_6] : memref<2000x128xf32, #tpu.memory_space<vmem>>, vector<2000x128xf32>
    tpu.vector_store %arg3[%swap3A, %swap3A_6], %dot_general3A_5 {strides = array<i32>} : memref<2000x128xf32, #tpu.memory_space<vmem>>, vector<2000x128xf32>,
    return
  }
  func.func @transform_0(%arg0: i32) -> (i32, i32) {
    %c0_i32 = arith.constant 0 : i32
    %c0_i32_0 = arith.constant 0 : i32
    return %arg0, %c0_i32 : i32, i32
  }
  func.func @transform_1(%arg0: i32) -> (i32, i32) {
    %c0_i32 = arith.constant 0 : i32
    %c0_i32_0 = arith.constant 0 : i32
    %c0_i32_1 = arith.constant 0 : i32
    return %c0_i32, %c0_i32_0 : i32, i32
  }
  func.func @transform_2(%arg0: i32) -> (i32, i32) {
    %c0_i32 = arith.constant 0 : i32
    %c0_i32_0 = arith.constant 0 : i32
    return %arg0, %c0_i32 : i32, i32
  }
}

module attributes {stable_mosaic.version = 14 : i64} {
  func.func @body(%arg0: i32, %arg1: memref<2x2000x128xf32, #tpu.memory_space<vmem>>, %arg2: memref<2x2000x128xf32, #tpu.memory_space<vmem>>, %arg3: memref<1x128xf32, #tpu.memory_space<vmem>>, %arg4: memref<2000x128xf32, #tpu.memory_space<vmem>>) attributes {dimension_semantics = [#tpu.dimension_semantics<arbitrary>], iteration_bounds = array<i64: 5>, scalar_prefetch = 0 : i64, scratch_operands = 0 : i64, tpu.core_type = #tpu.core_type<tc>, window_params = [{transform_indices = @transform_0, window_bounds = array<i64: 2, 2000, 128>}, {transform_indices = @transform_1, window_bounds = array<i64: 2, 2000, 128>}, {pipeline_mode = #tpu.pipeline_mode<synchronous>, transform_indices = @transform_2, window_bounds = array<i64: 1, 128>}, {transform_indices = @transform_3, window_bounds = array<i64: 2000, 128>}]} {
    %get3A = arith.constant 0 : index
    %get3A_0 = arith.constant 0 : index
    %get3A_1 = arith.constant 0 : index
    %get3A_2 = vector.load %arg2[%get3A, %get3A_0, %get3A_1] : memref<2x2000x128xf32, #tpu.memory_space<vmem>>, vector<1x2000x1xf32>
    %get3A_3 = vector.shape_cast %get3A_2 : vector<1x2000x1xf32> to vector<2000x1xf32>
    %get3A_4 = arith.constant 1 : index
    %get3A_5 = arith.constant 0 : index
    %get3A_6 = arith.constant 0 : index
    %get3A_7 = vector.load %arg2[%get3A_4, %get3A_5, %get3A_6] : memref<2x2000x128xf32, #tpu.memory_space<vmem>>, vector<1x2000x1xf32>
    %get3A_8 = vector.shape_cast %get3A_7 : vector<1x2000x1xf32> to vector<2000x1xf32>
    %add3A = arith.addf %get3A_3, %get3A_8 : vector<2000x1xf32>
    %add3A_9 = arith.constant 1.000000e+00 : f32
    %add3A_10 = vector.broadcast %add3A_9 : f32 to vector<2000x1xf32>
    %add3A_11 = arith.addf %add3A, %add3A_10 : vector<2000x1xf32>
    %rsqrt3A = math.rsqrt %add3A_11 : vector<2000x1xf32>
    %get3A_12 = arith.constant 0 : index
    %get3A_13 = arith.constant 0 : index
    %get3A_14 = arith.constant 0 : index
    %get3A_15 = vector.load %arg1[%get3A_12, %get3A_13, %get3A_14] : memref<2x2000x128xf32, #tpu.memory_space<vmem>>, vector<1x2000x128xf32>
    %get3A_16 = vector.shape_cast %get3A_15 : vector<1x2000x128xf32> to vector<2000x128xf32>
    %get3A_17 = arith.constant 1 : index
    %get3A_18 = arith.constant 0 : index
    %get3A_19 = arith.constant 0 : index
    %get3A_20 = vector.load %arg1[%get3A_17, %get3A_18, %get3A_19] : memref<2x2000x128xf32, #tpu.memory_space<vmem>>, vector<1x2000x128xf32>
    %get3A_21 = vector.shape_cast %get3A_20 : vector<1x2000x128xf32> to vector<2000x128xf32>
    %add3A_22 = arith.addf %get3A_16, %get3A_21 : vector<2000x128xf32>
    %mul3A = vector.broadcast %rsqrt3A : vector<2000x1xf32> to vector<2000x128xf32>
    %mul3A_23 = arith.mulf %add3A_22, %mul3A : vector<2000x128xf32>
    %get3A_24 = arith.constant 0 : index
    %get3A_25 = arith.constant 0 : index
    %get3A_26 = vector.load %arg3[%get3A_24, %get3A_25] : memref<1x128xf32, #tpu.memory_space<vmem>>, vector<1x128xf32>
    %add3A_27 = vector.broadcast %get3A_26 : vector<1x128xf32> to vector<2000x128xf32>
    %add3A_28 = arith.addf %mul3A_23, %add3A_27 : vector<2000x128xf32>
    %max3A = arith.constant 0.000000e+00 : f32
    %max3A_29 = vector.broadcast %max3A : f32 to vector<2000x128xf32>
    %max3A_30 = arith.maximumf %add3A_28, %max3A_29 : vector<2000x128xf32>
    %swap3A = arith.constant 0 : index
    %swap3A_31 = arith.constant 0 : index
    %swap3A_32 = vector.load %arg4[%swap3A, %swap3A_31] : memref<2000x128xf32, #tpu.memory_space<vmem>>, vector<2000x128xf32>
    tpu.vector_store %arg4[%swap3A, %swap3A_31], %max3A_30 {strides = array<i32>} : memref<2000x128xf32, #tpu.memory_space<vmem>>, vector<2000x128xf32>,
    return
  }
  func.func @transform_0(%arg0: i32) -> (i32, i32, i32) {
    %c0_i32 = arith.constant 0 : i32
    %c0_i32_0 = arith.constant 0 : i32
    %c0_i32_1 = arith.constant 0 : i32
    return %c0_i32, %arg0, %c0_i32_0 : i32, i32, i32
  }
  func.func @transform_1(%arg0: i32) -> (i32, i32, i32) {
    %c0_i32 = arith.constant 0 : i32
    %c0_i32_0 = arith.constant 0 : i32
    %c0_i32_1 = arith.constant 0 : i32
    return %c0_i32, %arg0, %c0_i32_0 : i32, i32, i32
  }
  func.func @transform_2(%arg0: i32) -> (i32, i32) {
    %c0_i32 = arith.constant 0 : i32
    %c0_i32_0 = arith.constant 0 : i32
    %c0_i32_1 = arith.constant 0 : i32
    return %c0_i32, %c0_i32_0 : i32, i32
  }
  func.func @transform_3(%arg0: i32) -> (i32, i32) {
    %c0_i32 = arith.constant 0 : i32
    %c0_i32_0 = arith.constant 0 : i32
    return %arg0, %c0_i32 : i32, i32
  }
}

module attributes {stable_mosaic.version = 14 : i64} {
  func.func @body(%arg0: i32, %arg1: memref<2000x128xf32, #tpu.memory_space<vmem>>, %arg2: memref<2x2000x128xf32, #tpu.memory_space<vmem>>, %arg3: memref<2000x128xf32, #tpu.memory_space<vmem>>) attributes {dimension_semantics = [#tpu.dimension_semantics<arbitrary>], iteration_bounds = array<i64: 5>, scalar_prefetch = 0 : i64, scratch_operands = 0 : i64, tpu.core_type = #tpu.core_type<tc>, window_params = [{transform_indices = @transform_0, window_bounds = array<i64: 2000, 128>}, {transform_indices = @transform_1, window_bounds = array<i64: 2, 2000, 128>}, {transform_indices = @transform_2, window_bounds = array<i64: 2000, 128>}]} {
    %get3A = arith.constant 0 : index
    %get3A_0 = arith.constant 0 : index
    %get3A_1 = arith.constant 0 : index
    %get3A_2 = vector.load %arg2[%get3A, %get3A_0, %get3A_1] : memref<2x2000x128xf32, #tpu.memory_space<vmem>>, vector<1x2000x1xf32>
    %get3A_3 = vector.shape_cast %get3A_2 : vector<1x2000x1xf32> to vector<2000x1xf32>
    %get3A_4 = arith.constant 1 : index
    %get3A_5 = arith.constant 0 : index
    %get3A_6 = arith.constant 0 : index
    %get3A_7 = vector.load %arg2[%get3A_4, %get3A_5, %get3A_6] : memref<2x2000x128xf32, #tpu.memory_space<vmem>>, vector<1x2000x1xf32>
    %get3A_8 = vector.shape_cast %get3A_7 : vector<1x2000x1xf32> to vector<2000x1xf32>
    %add3A = arith.addf %get3A_3, %get3A_8 : vector<2000x1xf32>
    %add3A_9 = arith.constant 1.000000e+00 : f32
    %add3A_10 = vector.broadcast %add3A_9 : f32 to vector<2000x1xf32>
    %add3A_11 = arith.addf %add3A, %add3A_10 : vector<2000x1xf32>
    %get3A_12 = arith.constant 0 : index
    %get3A_13 = arith.constant 0 : index
    %get3A_14 = vector.load %arg1[%get3A_12, %get3A_13] : memref<2000x128xf32, #tpu.memory_space<vmem>>, vector<2000x128xf32>
    %rsqrt3A = math.rsqrt %add3A_11 : vector<2000x1xf32>
    %mul3A = vector.broadcast %rsqrt3A : vector<2000x1xf32> to vector<2000x128xf32>
    %mul3A_15 = arith.mulf %get3A_14, %mul3A : vector<2000x128xf32>
    %swap3A = arith.constant 0 : index
    %swap3A_16 = arith.constant 0 : index
    %swap3A_17 = vector.load %arg3[%swap3A, %swap3A_16] : memref<2000x128xf32, #tpu.memory_space<vmem>>, vector<2000x128xf32>
    tpu.vector_store %arg3[%swap3A, %swap3A_16], %mul3A_15 {strides = array<i32>} : memref<2000x128xf32, #tpu.memory_space<vmem>>, vector<2000x128xf32>,
    return
  }
  func.func @transform_0(%arg0: i32) -> (i32, i32) {
    %c0_i32 = arith.constant 0 : i32
    %c0_i32_0 = arith.constant 0 : i32
    return %arg0, %c0_i32 : i32, i32
  }
  func.func @transform_1(%arg0: i32) -> (i32, i32, i32) {
    %c0_i32 = arith.constant 0 : i32
    %c0_i32_0 = arith.constant 0 : i32
    %c0_i32_1 = arith.constant 0 : i32
    return %c0_i32, %arg0, %c0_i32_0 : i32, i32, i32
  }
  func.func @transform_2(%arg0: i32) -> (i32, i32) {
    %c0_i32 = arith.constant 0 : i32
    %c0_i32_0 = arith.constant 0 : i32
    return %arg0, %c0_i32 : i32, i32
  }
}

</mosaic_0001>

<sc_bundles>
// kernel: kernel.11.cloned.1.call-start
scs
__scs_entry_jumppad:
0x0: {  	(pc) =	sbr.rel $0x88, $3  }
0x1: {  	(tag) =	ssettag $0x0;
	lr =	simm.s32 $0x1  }
0x2: {  	[smem:$0x3F9D] =	sst lr;
	_ =	strace $0xD0000000  }
0x3: {  	_ = 	snop  }
0x4: {  	_ = 	snop  }
0x5: {  	_ = 	snop  }
0x6: {  	_ = 	snop  }
0x7: {  	_ = 	snop  }
__scs_overlays_trampoline_lowered:
0x8: {  	[smem:$0x3FAC] =	sst s0  }
0x9: {  	[smem:$0x3FAD] =	sst s1  }
0xa: {  	[smem:$0x3FAE] =	sst s2  }
0xb: {  	[smem:$0x3FAF] =	sst s3  }
0xc: {  	[smem:$0x3FB0] =	sst s4  }
0xd: {  	[smem:$0x3FB1] =	sst s5  }
0xe: {  	[smem:$0x3FB2] =	sst s6  }
0xf: {  	[smem:$0x3FB3] =	sst s7  }
0x10: {  	[smem:$0x3FB4] =	sst s8  }
0x11: {  	[smem:$0x3FB5] =	sst s9;
	s0 =	simm.s32 @!p0 $0x0  }
0x12: {  	s1 =	sld [smem:$0x3F9B];
	s0 =	simm.s32 @p0 $0x1  }
0x13: {  	[smem:$0x3FB6] =	sst s0;
	s0 =	simm.s32 @!p1 $0x0  }
0x14: {  	s2 =	sld [smem:$0x3F9A];
	s0 =	simm.s32 @p1 $0x1  }
0x15: {  	[smem:$0x3FB7] =	sst s0;
	s0 =	simm.s32 @!p2 $0x0  }
0x16: {  	s3 =	sld [smem:$0x3FDB];
	s0 =	simm.s32 @p2 $0x1  }
0x17: {  	s4 =	simm.s32 $0x1BF5;
	[smem:$0x3FB9] =	sst s0  }
0x18: {  	s0 =	sld [smem:$0x3F9C];
	_ =	swait.ge [sflag:s4], $0x0  }
0x19: {  	s7 =	sld [smem:$0x3F9D]  }
0x1a: {  	s8 =	sadd.s32 $0xFFFFE003, lr  }
0x1b: {  	s9 =	sadd.s32 $0xFFFFFEF7, lr;
	s5 =	simm.s32 $0xFFFFFFFF;
	p2 =	slt.u32 s8, $0xFFFFF086  }
0x1c: {  	p1 =	slt.u32 s9, $0xF7A;
	s5 =	simm.s32 @!p2 $0x0  }
0x1d: {  	s5 =	simm.s32 @p1 $0x1;
	p0 =	seq.s32 s7, s2  }
0x1e: {  	s7 =	smul.u32 @!p0 $0xF7A, s2;
	p2 =	seq.s32 @!p0 s5, $0x0  }
0x1f: {  	s9 =	smul.u32 $0xF7A, s1;
	s8 =	simm.s32 @!p0 $0x1BF5;
	p2 =	por !p2, p0  }
0x20: {  	[sflag:s8] =	ssyncset.s32 @!p0 $0xFFFFF086;
	s6 =	sadd.s32 @!p0 s3, s7;
	s7 =	simm.s32 @!p0 $0x108  }
0x21: {  	s3 =	sadd.s32 s3, s9;
	s6 =	sadd.s32 @!p0 $0x88, s6;
	s7 =	simm.s32 @p2 $0x1082  }
0x22: {  	[simem:s7], [sflag:s8] =	dma.local @!p0 [hbm:s6], $0xF7A  }
0x23: {  	s9 =	sor.u32 $0xD0000000, s2;
	s6 =	simm.s32 $0x108;
	_ =	swait.ge @!p0 [sflag:s8], $0x0  }
0x24: {  	s3 =	sadd.s32 $0x88, s3;
	s6 =	simm.s32 @!p1 $0x1082;
	[sflag:s4] =	ssyncset.s32 $0xFFFFF086  }
0x25: {  	[simem:s6], [sflag:s4] =	dma.local [hbm:s3], $0xF7A  }
0x26: {  	[smem:$0x3F9D] =	sst s1;
	(tag) =	ssettag s2;
	_ =	strace s9  }
0x27: {  	s1 =	sld [smem:$0x3FAD]  }
0x28: {  	s2 =	sld [smem:$0x3FAE]  }
0x29: {  	s4 =	sld [smem:$0x3FB0]  }
0x2a: {  	p0 =	seq.s32 s5, $0x0;
	s5 =	sld [smem:$0x3FB1]  }
0x2b: {  	s6 =	sld [smem:$0x3FB2]  }
0x2c: {  	s7 =	sld [smem:$0x3FB3]  }
0x2d: {  	s3 =	simm.s32 $0x108;
	s8 =	sld [smem:$0x3FB4]  }
0x2e: {  	s3 =	simm.s32 @!p0 $0x1082;
	s9 =	sld [smem:$0x3FB5]  }
0x2f: {  	lr =	sadd.s32 s0, s3;
	s0 =	sld [smem:$0x3FAC]  }
0x30: {  	s3 =	sld [smem:$0x3FAF]  }
0x31: {  	[smem:$0x3FB8] =	sst s10  }
0x32: {  	s10 =	sld [smem:$0x3FB6];
	_ =	sdelay $0x3  }
0x33: {  	p0 =	seq.s32 s10, $0x1;
	s10 =	sld [smem:$0x3FB8];
	_ =	sdelay $0x3  }
0x34: {  	[smem:$0x3FB8] =	sst s10  }
0x35: {  	s10 =	sld [smem:$0x3FB7];
	_ =	sdelay $0x3  }
0x36: {  	p1 =	seq.s32 s10, $0x1;
	s10 =	sld [smem:$0x3FB8];
	_ =	sdelay $0x3  }
0x37: {  	[smem:$0x3FB8] =	sst s10  }
0x38: {  	s10 =	sld [smem:$0x3FB9]  }
0x39: {  	_ = 	snop;
	(pc) =	sbr.ind lr, $3  }
0x3a: {  	_ = 	snop  }
0x3b: {  	_ = 	snop  }
0x3c: {  	p2 =	seq.s32 s10, $0x1;
	s10 =	sld [smem:$0x3FB8]  }
0x3d: {  	_ =	shalt  }
0x3e: {  	_ =	shalt  }
0x3f: {  	_ =	shalt  }
0x40: {  	_ =	shalt  }
0x41: {  	_ =	shalt  }
0x42: {  	_ =	shalt  }
0x43: {  	_ =	shalt  }
0x44: {  	_ =	shalt  }
0x45: {  	_ =	shalt  }
0x46: {  	_ =	shalt  }
0x47: {  	_ =	shalt  }
0x48: {  	_ =	shalt  }
0x49: {  	_ =	shalt  }
0x4a: {  	_ =	shalt  }
0x4b: {  	_ =	shalt  }
0x4c: {  	_ =	shalt  }
0x4d: {  	_ =	shalt  }
0x4e: {  	_ =	shalt  }
0x4f: {  	_ =	shalt  }
0x50: {  	_ =	shalt  }
0x51: {  	_ =	shalt  }
0x52: {  	_ =	shalt  }
0x53: {  	_ =	shalt  }
0x54: {  	_ =	shalt  }
0x55: {  	_ =	shalt  }
0x56: {  	_ =	shalt  }
0x57: {  	_ =	shalt  }
0x58: {  	_ =	shalt  }
0x59: {  	_ =	shalt  }
0x5a: {  	_ =	shalt  }
0x5b: {  	_ =	shalt  }
0x5c: {  	_ =	shalt  }
0x5d: {  	_ =	shalt  }
0x5e: {  	_ =	shalt  }
0x5f: {  	_ =	shalt  }
0x60: {  	_ =	shalt  }
0x61: {  	_ =	shalt  }
0x62: {  	_ =	shalt  }
0x63: {  	_ =	shalt  }
0x64: {  	_ =	shalt  }
0x65: {  	_ =	shalt  }
0x66: {  	_ =	shalt  }
0x67: {  	_ =	shalt  }
0x68: {  	_ =	shalt  }
0x69: {  	_ =	shalt  }
0x6a: {  	_ =	shalt  }
0x6b: {  	_ =	shalt  }
0x6c: {  	_ =	shalt  }
0x6d: {  	_ =	shalt  }
0x6e: {  	_ =	shalt  }
0x6f: {  	_ =	shalt  }
0x70: {  	_ =	shalt  }
0x71: {  	_ =	shalt  }
0x72: {  	_ =	shalt  }
0x73: {  	_ =	shalt  }
0x74: {  	_ =	shalt  }
0x75: {  	_ =	shalt  }
0x76: {  	_ =	shalt  }
0x77: {  	_ =	shalt  }
0x78: {  	_ =	shalt  }
0x79: {  	_ =	shalt  }
0x7a: {  	_ =	shalt  }
0x7b: {  	_ =	shalt  }
0x7c: {  	_ =	shalt  }
0x7d: {  	_ =	shalt  }
0x7e: {  	_ =	shalt  }
0x7f: {  	_ =	shalt  }
0x80: {  	_ =	shalt  }
0x81: {  	_ =	shalt  }
0x82: {  	_ =	shalt  }
0x83: {  	_ =	shalt  }
0x84: {  	_ =	shalt  }
0x85: {  	_ =	shalt  }
0x86: {  	_ =	shalt  }
0x87: {  	_ =	shalt  }
.Lfunc_end0:
.L_simem_size_0:
called_computation.1_lowered:
.L_overlay_start_0:
0x88: {  	s2 =	sld [smem:$0x3FD9]  }
0x89: {  	s3 =	sld [smem:$0x3FFE];
	_ =	sdelay $0x1  }
0x8a: {  	s1 =	srdreg.scid  }
0x8b: {  	s0 =	sand.u32 $0x1, s1  }
0x8c: {  	s17 =	sshll.u32 s0, $0xA;
	s2 =	sadd.s32 s3, s2  }
0x8d: {  	s2 =	sadd.s32 s2, s17  }
0x8e: {  	[smem:$0x3FC4] =	sst s2  }
0x8f: {  	_ = 	snop  }
0x90: {  	s2 =	sld [smem:$0x3FD0];
	(tm) =	ssettm $0x1  }
0x91: {  	s18 =	sld [smem:$0x3FFB];
	_ =	sdelay $0x3  }
0x92: {  	_ =	strace s18  }
0x93: {  	s3 =	sld [smem:$0x3FFC];
	_ =	sdelay $0x3  }
0x94: {  	_ =	strace s3  }
0x95: {  	s3 =	sld [smem:$0x3FFD];
	_ =	sdelay $0x3  }
0x96: {  	_ =	strace s3  }
0x97: {  	_ =	strace $0x8FFFFFFF  }
0x98: {  	s19 =	sld [smem:$0x3FDB];
	_ =	sdelay $0x1  }
0x99: {  	s4 =	simm.s32 $_scs_section_size  }
0x9a: {  	s5 =	simm.s32 $_size__tile_overlayer_lowered;
	s6 =	simm.s32 $_tile_overlayer_lowered  }
0x9b: {  	s22 =	simm.s32 $0x1BFF;
	s21 =	sshll.u32 s6, $0x1;
	s3 =	sadd.s32 s4, s19  }
0x9c: {  	s7 =	simm.s32 $0x0;
	s20 =	sshll.u32 s5, $0x1;
	s5 =	sadd.s32 s21, s3  }
0x9d: {  	[timem:s7], [sflag:s22] =	dma.local [hbm:s5], s20  }
0x9e: {  	_ =	swait.ge [sflag:s22], s20  }
0x9f: {  	s4 =	ssub.s32 $0x0, s20;
	[sflag:s22] =	ssyncset.done $0x0  }
0xa0: {  	[sflag:s22] =	ssyncadd.s32 s4;
	_ =	sdelay $0x1  }
0xa1: {  	s23 =	simm.s32 $0x1B8B  }
0xa2: {  	_ =	swait.ge [sflag:s23], $0x1  }
0xa3: {  	[sflag:s23] =	ssyncset.done $0x0  }
0xa4: {  	s25 =	simm.s32 $0x1B8E;
	s24 =	sld [smem:$0x3FFE];
	[sflag:s23] =	ssyncadd.s32 $0xFFFFFFFF  }
0xa5: {  	s26 =	simm.s32 $execute0_lowered;
	[smem:$0x3FD2] =	sst s25  }
0xa6: {  	s5 =	sshll.u32 s26, $0x1;
	_ =	strace $0x80000049;
	[dreg:$0x1] =	wrdreg $0xFFFFFFFF  }
0xa7: {  	s28 =	simm.s32 $_size_execute0_lowered;
	s3 =	sadd.s32 s3, s5;
	[dreg:$0x0] =	wrdreg $0x0  }
0xa8: {  	s5 =	sshll.u32 s28, $0x1;
	[dreg:$0x2] =	wrdreg s3  }
0xa9: {  	[dreg:$0x3] =	wrdreg s5  }
0xaa: {  	[dreg:$0x4] =	wrdreg $0xC0  }
0xab: {  	_ =	task [dreg:s7], $0x5FFFF  }
0xac: {  	[dreg:$0x1] =	wrdreg $0xFFFFFFFF  }
0xad: {  	[dreg:$0x0] =	wrdreg $0x60  }
0xae: {  	[dreg:$0x2] =	wrdreg s24  }
0xaf: {  	[dreg:$0x3] =	wrdreg s2  }
0xb0: {  	[dreg:$0x4] =	wrdreg $0xC6200  }
0xb1: {  	[dreg:$0x5] =	wrdreg $0x9  }
0xb2: {  	_ =	task.clear_ibuf [dreg:s7], $0x6FFFF;
	_ =	strace $0x90000049  }
0xb3: {  	s29 =	simm.s32 $0x9;
	_ =	strace $0x8000004B  }
0xb4: {  	_ =	swait.ge [sflag:s29], $0x1  }
0xb5: {  	[sflag:s29] =	ssyncadd.s32 $0xFFFFFFFF  }
0xb6: {  	_ =	strace $0x9000004B  }
0xb7: {  	_ =	sfence  }
0xb8: {  	s30 =	sld [smem:$0x0];
	_ =	sdelay $0x2  }
0xb9: {  	s31 =	sshll.u32 s1, $0xD;
	s1 =	sshrl.u32 s1, $0x2  }
0xba: {  	s3 =	sand.u32 $0x4000, s31;
	s1 =	sadd.s32 s1, s30  }
0xbb: {  	s0 =	sor.u32 s3, s0;
	s1 =	sshll.u32 s1, $0x11  }
0xbc: {  	s0 =	sor.u32 s1, s0  }
0xbd: {  	s0 =	sadd.s32 $0x8F2B, s0  }
0xbe: {  	[sflag:s0] =	ssyncadd.remote.s32 $0x1  }
0xbf: {  	_ =	sfence.sel $0xFFFF  }
0xc0: {  	[dreg:$0x0] =	wrdreg $0xFFFFFFFF;
	(pc) =	sbr.abs _section_cstart, $3  }
0xc1: {  	[dreg:$0x1] =	wrdreg $0xFFFFFFFF  }
0xc2: {  	_ =	task.clear_ibuf [dreg:s7], $0x2FFFF;
	_ =	strace $0x9FFFFFFF  }
0xc3: {  	(tm) =	ssettm $0x7FFFFFFF  }
tec
execute0_lowered:
.L_overlay_start_1:
0x0: {  	(tag) =	ssettag $0x1  }
0x1: {  	s0 =	rddreg [dreg:$0x0]  }
0x2: {  	s2 =	rddreg [dreg:$0x1]  }
0x3: {  	s3 =	rddreg [dreg:$0x2]  }
0x4: {  	s1 =	srdreg.scid;
	s9 =	stileid.u32  }
0x5: {  	s4 =	simm.s32 $0x0;
	s28 =	simm.s32 $0xD;
	s30 =	simm.s32 $0x28  }
0x6: {  	s31 =	simm.s32 $0x4E20;
	s29 =	simm.s32 $0x9E20;
	s7 =	smul.u32 $0x13880, s9  }
0x7: {  	s1 =	sand.u32 $0x1, s1;
	s5 =	sshll.u32 s9, $0x1;
	s9 =	smul.u32 $0x4E200, s9  }
0x8: {  	[smem:$0x7FF] =	sst s4;
	s6 =	smul.u32 $0x138800, s1;
	s11 =	sshrl.u32 s7, $0x3  }
0x9: {  	s5 =	sor.u32 s1, s5;
	s9 =	sshrl.u32 s9, $0x2;
	s12 =	sadd.s32 s2, s11  }
0xa: {  	_ =	strace $0x8000004A;
	s26 =	sadd.s32 s9, s3;
	[dreg:$0x7] =	wrdreg s12  }
0xb: {  	s8 =	ssub.s32 $0x2, s1;
	s9 =	sadd.s32 $0x12C00, s26;
	[dreg:$0x5] =	wrdreg s26  }
0xc: {  	p0 =	seq.s32 s1, $0x0;
	s13 =	sadd.s32 $0x1400, s26;
	[dreg:$0x6] =	wrdreg s9  }
0xd: {  	s5 =	smul.u32 $0x4E2, s5;
	s14 =	sadd.s32 $0x2800, s26;
	[dreg:$0x8] =	wrdreg s13  }
0xe: {  	s24 =	sshrl.u32 s8, $0x1;
	s15 =	sadd.s32 $0x3C00, s26;
	[dreg:$0x9] =	wrdreg s14  }
0xf: {  	s6 =	sadd.s32 s7, s6;
	s16 =	sadd.s32 $0x5000, s26;
	[dreg:$0xa] =	wrdreg s15  }
0x10: {  	s8 =	ssub.s32 s8, s24;
	s17 =	sadd.s32 $0x6400, s26;
	[dreg:$0xb] =	wrdreg s16  }
0x11: {  	s6 =	sshrl.u32 s6, $0x3;
	s18 =	sadd.s32 $0x7800, s26;
	[dreg:$0xc] =	wrdreg s17  }
0x12: {  	s10 =	sadd.s32 s5, s0;
	s19 =	sadd.s32 $0x8C00, s26;
	[dreg:$0xd] =	wrdreg s18  }
0x13: {  	s12 =	smax.u32 s8, $0x1;
	s20 =	sadd.s32 $0xA000, s26;
	[dreg:$0xe] =	wrdreg s19  }
0x14: {  	s21 =	sadd.s32 $0xB400, s26;
	s22 =	sadd.s32 $0xC800, s26;
	[dreg:$0xf] =	wrdreg s20  }
0x15: {  	s23 =	sadd.s32 $0xDC00, s26;
	s24 =	sadd.s32 $0xF000, s26;
	[dreg:$0x10] =	wrdreg s21  }
0x16: {  	s8 =	simm.s32 $0x2;
	s0 =	sadd.s32 s6, s0;
	[dreg:$0x11] =	wrdreg s22  }
0x17: {  	s25 =	sadd.s32 $0xC000, s10;
	s6 =	sadd.s32 $0x2200, s10;
	[dreg:$0x12] =	wrdreg s23  }
0x18: {  	s9 =	sadd.s32 s7, s3;
	[dreg:$0x13] =	wrdreg s24;
	s10 =	simm.s32 $0x7620  }
0x19: {  	s14 =	simm.s32 $0x8A20;
	s17 =	simm.s32 $0xB220;
	s18 =	simm.s32 $0x1  }
0x1a: {  	s19 =	simm.s32 $0x7;
	s20 =	simm.s32 $0x8;
	s21 =	simm.s32 $0x3  }
0x1b: {  	s13 =	simm.s32 $0x9;
	s22 =	simm.s32 $0x4;
	s23 =	simm.s32 $0xA  }
0x1c: {  	s15 =	simm.s32 $0x5;
	s24 =	simm.s32 $0xB;
	s16 =	simm.s32 $0x6  }
0x1d: {  	[dreg:$0x4] =	wrdreg s25;
	s11 =	sadd.s32 $0x15E00, s0;
	s25 =	sadd.s32 $0x10400, s26  }
0x1e: {  	s26 =	sadd.s32 $0x11800, s26;
	s0 =	simm.s32 $0x6220;
	[dreg:$0x14] =	wrdreg s25  }
0x1f: {  	v0 =	vimm.f32 $0.0e+00;
	[dreg:$0x15] =	wrdreg s26;
	s25 =	simm.s32 $0xC;
	s26 =	simm.s32 $0x0  }
.LBB2_1:
0x20: {  	s1 =	rddreg [dreg:$0x4]  }
0x21: {  	[tilespmem:s4], [sflag:$0xD] =	stream.linear.gather [hbm4b:s1+s4], $0x2710, $0x38;
	[tilespmem:$0x1FEA0] =	vst v63  }
0x22: {  	_ =	swait.ge [sflag:s28], $0x2710  }
0x23: {  	[sflag:s28] =	ssyncset.done $0x0  }
.Ltmp0:
0x24: {  	s7 =	simm.s32 $0x2710;
	[sflag:s28] =	ssyncadd.s32 $0xFFFFD8F0;
	(pc) =	sbr.rel @!p0 .LBB2_2-.Ltmp0, $4  }
0x25: {  	[tilespmem:s7], [sflag:$0xD] =	stream.linear.gather [hbm4b:s6+s4], $0x2710, $0x38;
	[tilespmem:$0x1FEA0] =	vst v63  }
0x26: {  	_ =	swait.ge [sflag:s28], $0x2710  }
0x27: {  	[sflag:s28] =	ssyncset.done $0x0  }
0x28: {  	s7 =	simm.s32 $0x1C0;
	[sflag:s28] =	ssyncadd.s32 $0xFFFFD8F0  }
0x29: {  	[tilespmem:s31], [sflag:$0x1] =	stream.indirect.gather [hbm4b:s2+s30], $0x80, s4, s30, $0xb8;
	[tilespmem:$0x1FEA0] =	vst v63  }
0x2a: {  	_ = 	snop  }
0x2b: {  	[tilespmem:s0], [sflag:$0x2] =	stream.indirect.gather [hbm4b:s2+s30], $0x80, s30, s30, $0xb8;
	[tilespmem:$0x1FEA0] =	vst v63  }
0x2c: {  	s1 =	simm.s32 $0x50  }
0x2d: {  	[tilespmem:s10], [sflag:$0x3] =	stream.indirect.gather [hbm4b:s2+s30], $0x80, s1, s30, $0xb8;
	[tilespmem:$0x1FEA0] =	vst v63  }
0x2e: {  	s5 =	simm.s32 $0x78  }
0x2f: {  	[tilespmem:s14], [sflag:$0x4] =	stream.indirect.gather [hbm4b:s2+s30], $0x80, s5, s30, $0xb8;
	[tilespmem:$0x1FEA0] =	vst v63  }
0x30: {  	s7 =	simm.s32 $0xA0  }
0x31: {  	[tilespmem:s29], [sflag:$0x5] =	stream.indirect.gather [hbm4b:s2+s30], $0x80, s7, s30, $0xb8;
	[tilespmem:$0x1FEA0] =	vst v63  }
0x32: {  	s7 =	stileid.u32  }
0x33: {  	s5 =	simm.s32 $0xC8;
	s1 =	sshll.u32 s7, $0x6;
	s7 =	sshrl.u32 s9, $0x3  }
0x34: {  	[tilespmem:s17], [sflag:$0x6] =	stream.indirect.gather [hbm4b:s2+s30], $0x80, s5, s30, $0xb8;
	[tilespmem:$0x1FEA0] =	vst v63  }
.Ltmp1:
0x35: {  	s1 =	sor.u32 $0x1C0D, s1;
	s5 =	rddreg [dreg:$0x7];
	(pc) =	sbr.rel .LBB2_6-.Ltmp1, $4  }
0x36: {  	[spmem:s7], [sflag:s1] =	dma.local [hbm:s5], $0x2710  }
0x37: {  	_ =	swait.ge [sflag:s28], $0x2710  }
0x38: {  	[sflag:s28] =	ssyncset.done $0x0  }
0x39: {  	[sflag:s28] =	ssyncadd.s32 $0xFFFFD8F0  }
.LBB2_2:
0x3a: {  	s1 =	sshra.s32 s7, $0x2;
	s7 =	sadd.s32 $0x200, s7  }
.LBB2_3:
0x3b: {  	p1 =	sne.s32 s7, $0x4FC0;
	[tilespmem:s1+$0x4E20] =	vst v0  }
0x3c: {  	[tilespmem:s1+$0x4DB0] =	vst v0  }
0x3d: {  	[tilespmem:s1+$0x4DC0] =	vst v0  }
.Ltmp2:
0x3e: {  	[tilespmem:s1+$0x4DD0] =	vst v0;
	(pc) =	sbr.rel @p1 .LBB2_3-.Ltmp2, $4  }
0x3f: {  	[tilespmem:s1+$0x4DE0] =	vst v0  }
0x40: {  	[tilespmem:s1+$0x4DF0] =	vst v0  }
0x41: {  	[tilespmem:s1+$0x4E00] =	vst v0  }
0x42: {  	[tilespmem:s1+$0x4E10] =	vst v0;
	s1 =	sshra.s32 s7, $0x2;
	s7 =	sadd.s32 $0x200, s7  }
0x43: {  	[tilespmem:s1+$0x4E20] =	vst v0  }
0x44: {  	[tilespmem:s1+$0x4DB0] =	vst v0  }
0x45: {  	[tilespmem:s1+$0x4DC0] =	vst v0  }
0x46: {  	[tilespmem:s1+$0x4DD0] =	vst v0  }
0x47: {  	[tilespmem:s1+$0x4DE0] =	vst v0  }
0x48: {  	[tilespmem:s1+$0x4DF0] =	vst v0  }
0x49: {  	[tilespmem:s1+$0x4E00] =	vst v0  }
0x4a: {  	[tilespmem:s1+$0x4E10] =	vst v0;
	s5 =	rddreg [dreg:$0x5]  }
0x4b: {  	[spmem:s5] =	stream.linear.scatter [tilespmem:s31], [sflag:$0xD], $0x1400, $0x38;
	[tilespmem:$0x1FEA0] =	vst v63  }
0x4c: {  	_ =	swait.ge [sflag:s28], $0x1400  }
0x4d: {  	[sflag:s28] =	ssyncset.done $0x0  }
0x4e: {  	s7 =	rddreg [dreg:$0x8];
	[sflag:s28] =	ssyncadd.s32 $0xFFFFEC00  }
0x4f: {  	[spmem:s7] =	stream.linear.scatter [tilespmem:s31], [sflag:$0xD], $0x1400, $0x38;
	[tilespmem:$0x1FEA0] =	vst v63  }
0x50: {  	_ =	swait.ge [sflag:s28], $0x1400  }
0x51: {  	[sflag:s28] =	ssyncset.done $0x0  }
0x52: {  	s5 =	rddreg [dreg:$0x9];
	[sflag:s28] =	ssyncadd.s32 $0xFFFFEC00  }
0x53: {  	[spmem:s5] =	stream.linear.scatter [tilespmem:s31], [sflag:$0xD], $0x1400, $0x38;
	[tilespmem:$0x1FEA0] =	vst v63  }
0x54: {  	_ =	swait.ge [sflag:s28], $0x1400  }
0x55: {  	[sflag:s28] =	ssyncset.done $0x0  }
0x56: {  	s7 =	rddreg [dreg:$0xa];
	[sflag:s28] =	ssyncadd.s32 $0xFFFFEC00  }
0x57: {  	[spmem:s7] =	stream.linear.scatter [tilespmem:s31], [sflag:$0xD], $0x1400, $0x38;
	[tilespmem:$0x1FEA0] =	vst v63  }
0x58: {  	_ =	swait.ge [sflag:s28], $0x1400  }
0x59: {  	[sflag:s28] =	ssyncset.done $0x0  }
0x5a: {  	s5 =	rddreg [dreg:$0xb];
	[sflag:s28] =	ssyncadd.s32 $0xFFFFEC00  }
0x5b: {  	[spmem:s5] =	stream.linear.scatter [tilespmem:s31], [sflag:$0xD], $0x1400, $0x38;
	[tilespmem:$0x1FEA0] =	vst v63  }
0x5c: {  	_ =	swait.ge [sflag:s28], $0x1400  }
0x5d: {  	[sflag:s28] =	ssyncset.done $0x0  }
0x5e: {  	s7 =	rddreg [dreg:$0xc];
	[sflag:s28] =	ssyncadd.s32 $0xFFFFEC00  }
0x5f: {  	[spmem:s7] =	stream.linear.scatter [tilespmem:s31], [sflag:$0xD], $0x1400, $0x38;
	[tilespmem:$0x1FEA0] =	vst v63  }
0x60: {  	_ =	swait.ge [sflag:s28], $0x1400  }
0x61: {  	[sflag:s28] =	ssyncset.done $0x0  }
0x62: {  	s5 =	rddreg [dreg:$0xd];
	[sflag:s28] =	ssyncadd.s32 $0xFFFFEC00  }
0x63: {  	[spmem:s5] =	stream.linear.scatter [tilespmem:s31], [sflag:$0xD], $0x1400, $0x38;
	[tilespmem:$0x1FEA0] =	vst v63  }
0x64: {  	_ =	swait.ge [sflag:s28], $0x1400  }
0x65: {  	[sflag:s28] =	ssyncset.done $0x0  }
0x66: {  	s7 =	rddreg [dreg:$0xe];
	[sflag:s28] =	ssyncadd.s32 $0xFFFFEC00  }
0x67: {  	[spmem:s7] =	stream.linear.scatter [tilespmem:s31], [sflag:$0xD], $0x1400, $0x38;
	[tilespmem:$0x1FEA0] =	vst v63  }
0x68: {  	_ =	swait.ge [sflag:s28], $0x1400  }
0x69: {  	[sflag:s28] =	ssyncset.done $0x0  }
0x6a: {  	s5 =	rddreg [dreg:$0xf];
	[sflag:s28] =	ssyncadd.s32 $0xFFFFEC00  }
0x6b: {  	[spmem:s5] =	stream.linear.scatter [tilespmem:s31], [sflag:$0xD], $0x1400, $0x38;
	[tilespmem:$0x1FEA0] =	vst v63  }
0x6c: {  	_ =	swait.ge [sflag:s28], $0x1400  }
0x6d: {  	[sflag:s28] =	ssyncset.done $0x0  }
0x6e: {  	s7 =	rddreg [dreg:$0x10];
	[sflag:s28] =	ssyncadd.s32 $0xFFFFEC00  }
0x6f: {  	[spmem:s7] =	stream.linear.scatter [tilespmem:s31], [sflag:$0xD], $0x1400, $0x38;
	[tilespmem:$0x1FEA0] =	vst v63  }
0x70: {  	_ =	swait.ge [sflag:s28], $0x1400  }
0x71: {  	[sflag:s28] =	ssyncset.done $0x0  }
0x72: {  	s5 =	rddreg [dreg:$0x11];
	[sflag:s28] =	ssyncadd.s32 $0xFFFFEC00  }
0x73: {  	[spmem:s5] =	stream.linear.scatter [tilespmem:s31], [sflag:$0xD], $0x1400, $0x38;
	[tilespmem:$0x1FEA0] =	vst v63  }
0x74: {  	_ =	swait.ge [sflag:s28], $0x1400  }
0x75: {  	[sflag:s28] =	ssyncset.done $0x0  }
0x76: {  	s7 =	rddreg [dreg:$0x12];
	[sflag:s28] =	ssyncadd.s32 $0xFFFFEC00  }
0x77: {  	[spmem:s7] =	stream.linear.scatter [tilespmem:s31], [sflag:$0xD], $0x1400, $0x38;
	[tilespmem:$0x1FEA0] =	vst v63  }
0x78: {  	_ =	swait.ge [sflag:s28], $0x1400  }
0x79: {  	[sflag:s28] =	ssyncset.done $0x0  }
0x7a: {  	s5 =	rddreg [dreg:$0x13];
	[sflag:s28] =	ssyncadd.s32 $0xFFFFEC00  }
0x7b: {  	[spmem:s5] =	stream.linear.scatter [tilespmem:s31], [sflag:$0xD], $0x1400, $0x38;
	[tilespmem:$0x1FEA0] =	vst v63  }
0x7c: {  	_ =	swait.ge [sflag:s28], $0x1400  }
0x7d: {  	[sflag:s28] =	ssyncset.done $0x0  }
0x7e: {  	s7 =	rddreg [dreg:$0x14];
	[sflag:s28] =	ssyncadd.s32 $0xFFFFEC00  }
0x7f: {  	[spmem:s7] =	stream.linear.scatter [tilespmem:s31], [sflag:$0xD], $0x1400, $0x38;
	[tilespmem:$0x1FEA0] =	vst v63  }
0x80: {  	_ =	swait.ge [sflag:s28], $0x1400  }
0x81: {  	[sflag:s28] =	ssyncset.done $0x0  }
0x82: {  	s5 =	rddreg [dreg:$0x15];
	[sflag:s28] =	ssyncadd.s32 $0xFFFFEC00  }
0x83: {  	[spmem:s5] =	stream.linear.scatter [tilespmem:s31], [sflag:$0xD], $0x1400, $0x38;
	[tilespmem:$0x1FEA0] =	vst v63  }
0x84: {  	_ =	swait.ge [sflag:s28], $0x1400  }
0x85: {  	[sflag:s28] =	ssyncset.done $0x0  }
0x86: {  	s7 =	rddreg [dreg:$0x6];
	[sflag:s28] =	ssyncadd.s32 $0xFFFFEC00  }
0x87: {  	[spmem:s7] =	stream.linear.scatter [tilespmem:s31], [sflag:$0xD], $0xC80, $0x38;
	[tilespmem:$0x1FEA0] =	vst v63  }
0x88: {  	_ =	swait.ge [sflag:s28], $0xC80  }
0x89: {  	[sflag:s28] =	ssyncset.done $0x0  }
0x8a: {  	[sflag:s28] =	ssyncadd.s32 $0xFFFFF380  }
0x8b: {  	[tilespmem:s31], [sflag:$0x1] =	stream.indirect.gather [hbm4b:s2+s30], $0x80, s4, s30, $0xb8;
	[tilespmem:$0x1FEA0] =	vst v63  }
0x8c: {  	_ = 	snop  }
0x8d: {  	[tilespmem:s0], [sflag:$0x2] =	stream.indirect.gather [hbm4b:s2+s30], $0x80, s30, s30, $0xb8;
	[tilespmem:$0x1FEA0] =	vst v63  }
0x8e: {  	s5 =	simm.s32 $0x50  }
0x8f: {  	[tilespmem:s10], [sflag:$0x3] =	stream.indirect.gather [hbm4b:s2+s30], $0x80, s5, s30, $0xb8;
	[tilespmem:$0x1FEA0] =	vst v63  }
0x90: {  	s7 =	simm.s32 $0x78  }
0x91: {  	[tilespmem:s14], [sflag:$0x4] =	stream.indirect.gather [hbm4b:s2+s30], $0x80, s7, s30, $0xb8;
	[tilespmem:$0x1FEA0] =	vst v63  }
0x92: {  	s5 =	simm.s32 $0xA0  }
0x93: {  	[tilespmem:s29], [sflag:$0x5] =	stream.indirect.gather [hbm4b:s2+s30], $0x80, s5, s30, $0xb8;
	[tilespmem:$0x1FEA0] =	vst v63  }
0x94: {  	s7 =	simm.s32 $0xC8  }
0x95: {  	[tilespmem:s17], [sflag:$0x6] =	stream.indirect.gather [hbm4b:s2+s30], $0x80, s7, s30, $0xb8;
	[tilespmem:$0x1FEA0] =	vst v63  }
.LBB2_6:
0x96: {  	[bflag:$0x0] =	sbarrier.arrive $0xFFFF  }
0x97: {  	_ =	swait.ge [sflag:s18], $0x1400  }
0x98: {  	[sflag:s18] =	ssyncset.done $0x0  }
0x99: {  	s1 =	simm.s32 $0x2710;
	[sflag:s18] =	ssyncadd.s32 $0xFFFFEC00  }
0x9a: {  	[spmem:s3] =	stream.indirect.scatter.add.f32 [tilespmem:s31], [sflag:$0x7], $0x80, s1, s30, $0xb8;
	[tilespmem:$0x1FEA0] =	vst v63  }
0x9b: {  	_ =	swait.ge [sflag:s19], $0x1400  }
0x9c: {  	[sflag:s19] =	ssyncset.done $0x0  }
0x9d: {  	s5 =	simm.s32 $0xF0;
	[sflag:s19] =	ssyncadd.s32 $0xFFFFEC00  }
0x9e: {  	[tilespmem:s31], [sflag:$0x1] =	stream.indirect.gather [hbm4b:s2+s30], $0x80, s5, s30, $0xb8;
	[tilespmem:$0x1FEA0] =	vst v63  }
0x9f: {  	_ =	swait.ge [sflag:s8], $0x1400  }
0xa0: {  	[sflag:s8] =	ssyncset.done $0x0  }
0xa1: {  	s7 =	simm.s32 $0x2738;
	[sflag:s8] =	ssyncadd.s32 $0xFFFFEC00  }
0xa2: {  	[spmem:s3] =	stream.indirect.scatter.add.f32 [tilespmem:s0], [sflag:$0x8], $0x80, s7, s30, $0xb8;
	[tilespmem:$0x1FEA0] =	vst v63  }
0xa3: {  	_ =	swait.ge [sflag:s20], $0x1400  }
0xa4: {  	[sflag:s20] =	ssyncset.done $0x0  }
0xa5: {  	s5 =	simm.s32 $0x118;
	[sflag:s20] =	ssyncadd.s32 $0xFFFFEC00  }
0xa6: {  	[tilespmem:s0], [sflag:$0x2] =	stream.indirect.gather [hbm4b:s2+s30], $0x80, s5, s30, $0xb8;
	[tilespmem:$0x1FEA0] =	vst v63  }
0xa7: {  	_ =	swait.ge [sflag:s21], $0x1400  }
0xa8: {  	[sflag:s21] =	ssyncset.done $0x0  }
0xa9: {  	s7 =	simm.s32 $0x2760;
	[sflag:s21] =	ssyncadd.s32 $0xFFFFEC00  }
0xaa: {  	[spmem:s3] =	stream.indirect.scatter.add.f32 [tilespmem:s10], [sflag:$0x9], $0x80, s7, s30, $0xb8;
	[tilespmem:$0x1FEA0] =	vst v63  }
0xab: {  	_ =	swait.ge [sflag:s13], $0x1400  }
0xac: {  	[sflag:s13] =	ssyncset.done $0x0  }
0xad: {  	s5 =	simm.s32 $0x140;
	[sflag:s13] =	ssyncadd.s32 $0xFFFFEC00  }
0xae: {  	[tilespmem:s10], [sflag:$0x3] =	stream.indirect.gather [hbm4b:s2+s30], $0x80, s5, s30, $0xb8;
	[tilespmem:$0x1FEA0] =	vst v63  }
0xaf: {  	_ =	swait.ge [sflag:s22], $0x1400  }
0xb0: {  	[sflag:s22] =	ssyncset.done $0x0  }
0xb1: {  	s7 =	simm.s32 $0x2788;
	[sflag:s22] =	ssyncadd.s32 $0xFFFFEC00  }
0xb2: {  	[spmem:s3] =	stream.indirect.scatter.add.f32 [tilespmem:s14], [sflag:$0xA], $0x80, s7, s30, $0xb8;
	[tilespmem:$0x1FEA0] =	vst v63  }
0xb3: {  	_ =	swait.ge [sflag:s23], $0x1400  }
0xb4: {  	[sflag:s23] =	ssyncset.done $0x0  }
0xb5: {  	s5 =	simm.s32 $0x168;
	[sflag:s23] =	ssyncadd.s32 $0xFFFFEC00  }
0xb6: {  	[tilespmem:s14], [sflag:$0x4] =	stream.indirect.gather [hbm4b:s2+s30], $0x80, s5, s30, $0xb8;
	[tilespmem:$0x1FEA0] =	vst v63  }
0xb7: {  	_ =	swait.ge [sflag:s15], $0x1400  }
0xb8: {  	[sflag:s15] =	ssyncset.done $0x0  }
0xb9: {  	s7 =	simm.s32 $0x27B0;
	[sflag:s15] =	ssyncadd.s32 $0xFFFFEC00  }
0xba: {  	[spmem:s3] =	stream.indirect.scatter.add.f32 [tilespmem:s29], [sflag:$0xB], $0x80, s7, s30, $0xb8;
	[tilespmem:$0x1FEA0] =	vst v63  }
0xbb: {  	_ =	swait.ge [sflag:s24], $0x1400  }
0xbc: {  	[sflag:s24] =	ssyncset.done $0x0  }
0xbd: {  	s5 =	simm.s32 $0x190;
	[sflag:s24] =	ssyncadd.s32 $0xFFFFEC00  }
0xbe: {  	[tilespmem:s29], [sflag:$0x5] =	stream.indirect.gather [hbm4b:s2+s30], $0x80, s5, s30, $0xb8;
	[tilespmem:$0x1FEA0] =	vst v63  }
0xbf: {  	_ =	swait.ge [sflag:s16], $0x1400  }
0xc0: {  	[sflag:s16] =	ssyncset.done $0x0  }
0xc1: {  	s7 =	simm.s32 $0x27D8;
	[sflag:s16] =	ssyncadd.s32 $0xFFFFEC00  }
0xc2: {  	[spmem:s3] =	stream.indirect.scatter.add.f32 [tilespmem:s17], [sflag:$0xC], $0x80, s7, s30, $0xb8;
	[tilespmem:$0x1FEA0] =	vst v63  }
0xc3: {  	_ =	swait.ge [sflag:s25], $0x1400  }
0xc4: {  	[sflag:s25] =	ssyncset.done $0x0  }
0xc5: {  	s1 =	simm.s32 $0x3C0;
	s7 =	simm.s32 $0x1B8;
	[sflag:s25] =	ssyncadd.s32 $0xFFFFEC00  }
.LBB2_7:
0xc6: {  	[tilespmem:s17], [sflag:$0x6] =	stream.indirect.gather [hbm4b:s2+s30], $0x80, s7, s30, $0xb8;
	[tilespmem:$0x1FEA0] =	vst v63  }
0xc7: {  	s7 =	smov.u32 s1  }
0xc8: {  	p1 =	sne.s32 s1, $0x9240;
	s1 =	sadd.s32 $0x3C0, s1;
	_ =	swait.ge [sflag:s18], $0x1400  }
0xc9: {  	s7 =	sshra.s32 s7, $0x2;
	[sflag:s18] =	ssyncset.done $0x0  }
0xca: {  	s5 =	sadd.s32 $0x2710, s7;
	[sflag:s18] =	ssyncadd.s32 $0xFFFFEC00  }
0xcb: {  	[spmem:s3] =	stream.indirect.scatter.add.f32 [tilespmem:s31], [sflag:$0x7], $0x80, s5, s30, $0xb8;
	[tilespmem:$0x1FEA0] =	vst v63  }
0xcc: {  	_ =	swait.ge [sflag:s19], $0x1400  }
0xcd: {  	[sflag:s19] =	ssyncset.done $0x0  }
0xce: {  	s5 =	sadd.s32 $0xF0, s7;
	[sflag:s19] =	ssyncadd.s32 $0xFFFFEC00  }
0xcf: {  	[tilespmem:s31], [sflag:$0x1] =	stream.indirect.gather [hbm4b:s2+s30], $0x80, s5, s30, $0xb8;
	[tilespmem:$0x1FEA0] =	vst v63  }
0xd0: {  	_ =	swait.ge [sflag:s8], $0x1400  }
0xd1: {  	[sflag:s8] =	ssyncset.done $0x0  }
0xd2: {  	s5 =	sadd.s32 $0x2738, s7;
	[sflag:s8] =	ssyncadd.s32 $0xFFFFEC00  }
0xd3: {  	[spmem:s3] =	stream.indirect.scatter.add.f32 [tilespmem:s0], [sflag:$0x8], $0x80, s5, s30, $0xb8;
	[tilespmem:$0x1FEA0] =	vst v63  }
0xd4: {  	_ =	swait.ge [sflag:s20], $0x1400  }
0xd5: {  	[sflag:s20] =	ssyncset.done $0x0  }
0xd6: {  	s5 =	sadd.s32 $0x118, s7;
	[sflag:s20] =	ssyncadd.s32 $0xFFFFEC00  }
0xd7: {  	[tilespmem:s0], [sflag:$0x2] =	stream.indirect.gather [hbm4b:s2+s30], $0x80, s5, s30, $0xb8;
	[tilespmem:$0x1FEA0] =	vst v63  }
0xd8: {  	_ =	swait.ge [sflag:s21], $0x1400  }
0xd9: {  	[sflag:s21] =	ssyncset.done $0x0  }
0xda: {  	s5 =	sadd.s32 $0x2760, s7;
	[sflag:s21] =	ssyncadd.s32 $0xFFFFEC00  }
0xdb: {  	[spmem:s3] =	stream.indirect.scatter.add.f32 [tilespmem:s10], [sflag:$0x9], $0x80, s5, s30, $0xb8;
	[tilespmem:$0x1FEA0] =	vst v63  }
0xdc: {  	_ =	swait.ge [sflag:s13], $0x1400  }
0xdd: {  	[sflag:s13] =	ssyncset.done $0x0  }
0xde: {  	s5 =	sadd.s32 $0x140, s7;
	[sflag:s13] =	ssyncadd.s32 $0xFFFFEC00  }
0xdf: {  	[tilespmem:s10], [sflag:$0x3] =	stream.indirect.gather [hbm4b:s2+s30], $0x80, s5, s30, $0xb8;
	[tilespmem:$0x1FEA0] =	vst v63  }
0xe0: {  	_ =	swait.ge [sflag:s22], $0x1400  }
0xe1: {  	[sflag:s22] =	ssyncset.done $0x0  }
0xe2: {  	s5 =	sadd.s32 $0x2788, s7;
	[sflag:s22] =	ssyncadd.s32 $0xFFFFEC00  }
0xe3: {  	[spmem:s3] =	stream.indirect.scatter.add.f32 [tilespmem:s14], [sflag:$0xA], $0x80, s5, s30, $0xb8;
	[tilespmem:$0x1FEA0] =	vst v63  }
0xe4: {  	_ =	swait.ge [sflag:s23], $0x1400  }
0xe5: {  	[sflag:s23] =	ssyncset.done $0x0  }
0xe6: {  	s5 =	sadd.s32 $0x168, s7;
	[sflag:s23] =	ssyncadd.s32 $0xFFFFEC00  }
0xe7: {  	[tilespmem:s14], [sflag:$0x4] =	stream.indirect.gather [hbm4b:s2+s30], $0x80, s5, s30, $0xb8;
	[tilespmem:$0x1FEA0] =	vst v63  }
0xe8: {  	_ =	swait.ge [sflag:s15], $0x1400  }
0xe9: {  	[sflag:s15] =	ssyncset.done $0x0  }
0xea: {  	s5 =	sadd.s32 $0x27B0, s7;
	[sflag:s15] =	ssyncadd.s32 $0xFFFFEC00  }
0xeb: {  	[spmem:s3] =	stream.indirect.scatter.add.f32 [tilespmem:s29], [sflag:$0xB], $0x80, s5, s30, $0xb8;
	[tilespmem:$0x1FEA0] =	vst v63  }
0xec: {  	_ =	swait.ge [sflag:s24], $0x1400  }
0xed: {  	[sflag:s24] =	ssyncset.done $0x0  }
0xee: {  	s5 =	sadd.s32 $0x190, s7;
	[sflag:s24] =	ssyncadd.s32 $0xFFFFEC00  }
0xef: {  	[tilespmem:s29], [sflag:$0x5] =	stream.indirect.gather [hbm4b:s2+s30], $0x80, s5, s30, $0xb8;
	[tilespmem:$0x1FEA0] =	vst v63  }
0xf0: {  	_ =	swait.ge [sflag:s16], $0x1400  }
0xf1: {  	[sflag:s16] =	ssyncset.done $0x0  }
.Ltmp3:
0xf2: {  	s5 =	sadd.s32 $0x27D8, s7;
	[sflag:s16] =	ssyncadd.s32 $0xFFFFEC00;
	(pc) =	sbr.rel @p1 .LBB2_7-.Ltmp3, $4  }
0xf3: {  	[spmem:s3] =	stream.indirect.scatter.add.f32 [tilespmem:s17], [sflag:$0xC], $0x80, s5, s30, $0xb8;
	[tilespmem:$0x1FEA0] =	vst v63  }
0xf4: {  	_ =	swait.ge [sflag:s25], $0x1400  }
0xf5: {  	[sflag:s25] =	ssyncset.done $0x0  }
0xf6: {  	s7 =	sadd.s32 $0x1B8, s7;
	[sflag:s25] =	ssyncadd.s32 $0xFFFFEC00  }
0xf7: {  	[tilespmem:s17], [sflag:$0x6] =	stream.indirect.gather [hbm4b:s2+s30], $0x80, s7, s30, $0xb8;
	[tilespmem:$0x1FEA0] =	vst v63  }
0xf8: {  	_ =	swait.ge [sflag:s18], $0x1400  }
0xf9: {  	[sflag:s18] =	ssyncset.done $0x0  }
0xfa: {  	s1 =	simm.s32 $0x4C90;
	[sflag:s18] =	ssyncadd.s32 $0xFFFFEC00  }
0xfb: {  	[spmem:s3] =	stream.indirect.scatter.add.f32 [tilespmem:s31], [sflag:$0x7], $0x80, s1, s30, $0xb8;
	[tilespmem:$0x1FEA0] =	vst v63  }
0xfc: {  	_ =	swait.ge [sflag:s19], $0x1400  }
0xfd: {  	[sflag:s19] =	ssyncset.done $0x0  }
0xfe: {  	s5 =	simm.s32 $0x2670;
	[sflag:s19] =	ssyncadd.s32 $0xFFFFEC00  }
0xff: {  	[tilespmem:s31], [sflag:$0x1] =	stream.indirect.gather [hbm4b:s2+s30], $0x80, s5, s30, $0xb8;
	[tilespmem:$0x1FEA0] =	vst v63  }
0x100: {  	_ =	swait.ge [sflag:s8], $0x1400  }
0x101: {  	[sflag:s8] =	ssyncset.done $0x0  }
0x102: {  	s7 =	simm.s32 $0x4CB8;
	[sflag:s8] =	ssyncadd.s32 $0xFFFFEC00  }
0x103: {  	[spmem:s3] =	stream.indirect.scatter.add.f32 [tilespmem:s0], [sflag:$0x8], $0x80, s7, s30, $0xb8;
	[tilespmem:$0x1FEA0] =	vst v63  }
0x104: {  	_ =	swait.ge [sflag:s20], $0x1400  }
0x105: {  	[sflag:s20] =	ssyncset.done $0x0  }
0x106: {  	s5 =	simm.s32 $0x2698;
	[sflag:s20] =	ssyncadd.s32 $0xFFFFEC00  }
0x107: {  	[tilespmem:s0], [sflag:$0x2] =	stream.indirect.gather [hbm4b:s2+s30], $0x80, s5, s30, $0xb8;
	[tilespmem:$0x1FEA0] =	vst v63  }
0x108: {  	_ =	swait.ge [sflag:s21], $0x1400  }
0x109: {  	[sflag:s21] =	ssyncset.done $0x0  }
0x10a: {  	s7 =	simm.s32 $0x4CE0;
	[sflag:s21] =	ssyncadd.s32 $0xFFFFEC00  }
0x10b: {  	[spmem:s3] =	stream.indirect.scatter.add.f32 [tilespmem:s10], [sflag:$0x9], $0x80, s7, s30, $0xb8;
	[tilespmem:$0x1FEA0] =	vst v63  }
0x10c: {  	_ =	swait.ge [sflag:s13], $0x1400  }
0x10d: {  	[sflag:s13] =	ssyncset.done $0x0  }
0x10e: {  	s5 =	simm.s32 $0x26C0;
	[sflag:s13] =	ssyncadd.s32 $0xFFFFEC00  }
0x10f: {  	[tilespmem:s10], [sflag:$0x3] =	stream.indirect.gather [hbm4b:s2+s30], $0x80, s5, s30, $0xb8;
	[tilespmem:$0x1FEA0] =	vst v63  }
0x110: {  	_ =	swait.ge [sflag:s22], $0x1400  }
0x111: {  	[sflag:s22] =	ssyncset.done $0x0  }
0x112: {  	s7 =	simm.s32 $0x4D08;
	[sflag:s22] =	ssyncadd.s32 $0xFFFFEC00  }
0x113: {  	[spmem:s3] =	stream.indirect.scatter.add.f32 [tilespmem:s14], [sflag:$0xA], $0x80, s7, s30, $0xb8;
	[tilespmem:$0x1FEA0] =	vst v63  }
0x114: {  	_ =	swait.ge [sflag:s23], $0x1400  }
0x115: {  	[sflag:s23] =	ssyncset.done $0x0  }
0x116: {  	s5 =	simm.s32 $0x26E8;
	[sflag:s23] =	ssyncadd.s32 $0xFFFFEC00  }
0x117: {  	[tilespmem:s14], [sflag:$0x4] =	stream.indirect.gather [hbm4b:s2+s30], $0x80, s5, s30, $0xb8;
	[tilespmem:$0x1FEA0] =	vst v63  }
0x118: {  	_ =	swait.ge [sflag:s15], $0x1400  }
0x119: {  	[sflag:s15] =	ssyncset.done $0x0  }
0x11a: {  	s7 =	simm.s32 $0x4D30;
	[sflag:s15] =	ssyncadd.s32 $0xFFFFEC00  }
0x11b: {  	[spmem:s3] =	stream.indirect.scatter.add.f32 [tilespmem:s29], [sflag:$0xB], $0x80, s7, s30, $0xb8;
	[tilespmem:$0x1FEA0] =	vst v63  }
0x11c: {  	_ =	swait.ge [sflag:s16], $0x1400  }
0x11d: {  	[sflag:s16] =	ssyncset.done $0x0  }
0x11e: {  	s5 =	simm.s32 $0x4D58;
	[sflag:s16] =	ssyncadd.s32 $0xFFFFEC00  }
0x11f: {  	[spmem:s3] =	stream.indirect.scatter.add.f32 [tilespmem:s17], [sflag:$0xC], $0x80, s5, s30, $0xb8;
	[tilespmem:$0x1FEA0] =	vst v63  }
0x120: {  	_ =	swait.ge [sflag:s18], $0x1400  }
0x121: {  	[sflag:s18] =	ssyncset.done $0x0  }
0x122: {  	s7 =	simm.s32 $0x4D80;
	[sflag:s18] =	ssyncadd.s32 $0xFFFFEC00  }
0x123: {  	[spmem:s3] =	stream.indirect.scatter.add.f32 [tilespmem:s31], [sflag:$0x7], $0x80, s7, s30, $0xb8;
	[tilespmem:$0x1FEA0] =	vst v63  }
0x124: {  	_ =	swait.ge [sflag:s8], $0x1400  }
0x125: {  	[sflag:s8] =	ssyncset.done $0x0  }
0x126: {  	s5 =	simm.s32 $0x4DA8;
	[sflag:s8] =	ssyncadd.s32 $0xFFFFEC00  }
0x127: {  	[spmem:s3] =	stream.indirect.scatter.add.f32 [tilespmem:s0], [sflag:$0x8], $0x80, s5, s30, $0xb8;
	[tilespmem:$0x1FEA0] =	vst v63  }
0x128: {  	_ =	swait.ge [sflag:s21], $0x1400  }
0x129: {  	[sflag:s21] =	ssyncset.done $0x0  }
0x12a: {  	s7 =	simm.s32 $0x4DD0;
	[sflag:s21] =	ssyncadd.s32 $0xFFFFEC00  }
0x12b: {  	[spmem:s3] =	stream.indirect.scatter.add.f32 [tilespmem:s10], [sflag:$0x9], $0x80, s7, s30, $0xb8;
	[tilespmem:$0x1FEA0] =	vst v63  }
0x12c: {  	_ =	swait.ge [sflag:s22], $0x1400  }
0x12d: {  	[sflag:s22] =	ssyncset.done $0x0  }
0x12e: {  	s5 =	simm.s32 $0x4DF8;
	[sflag:s22] =	ssyncadd.s32 $0xFFFFEC00  }
0x12f: {  	[spmem:s3] =	stream.indirect.scatter.add.f32 [tilespmem:s14], [sflag:$0xA], $0x80, s5, s30, $0xb8;
	[tilespmem:$0x1FEA0] =	vst v63  }
0x130: {  	_ =	swait.ge [sflag:s19], $0x1400  }
0x131: {  	[sflag:s19] =	ssyncset.done $0x0  }
0x132: {  	[sflag:s19] =	ssyncadd.s32 $0xFFFFEC00  }
0x133: {  	_ =	swait.ge [sflag:s20], $0x1400  }
0x134: {  	[sflag:s20] =	ssyncset.done $0x0  }
0x135: {  	[sflag:s20] =	ssyncadd.s32 $0xFFFFEC00  }
0x136: {  	_ =	swait.ge [sflag:s13], $0x1400  }
0x137: {  	[sflag:s13] =	ssyncset.done $0x0  }
0x138: {  	[sflag:s13] =	ssyncadd.s32 $0xFFFFEC00  }
0x139: {  	_ =	swait.ge [sflag:s23], $0x1400  }
0x13a: {  	[sflag:s23] =	ssyncset.done $0x0  }
0x13b: {  	[sflag:s23] =	ssyncadd.s32 $0xFFFFEC00  }
0x13c: {  	_ =	swait.ge [sflag:s24], $0x1400  }
0x13d: {  	[sflag:s24] =	ssyncset.done $0x0  }
0x13e: {  	[sflag:s24] =	ssyncadd.s32 $0xFFFFEC00  }
0x13f: {  	s7 =	stileid.u32;
	_ =	swait.ge [sflag:s25], $0x1400  }
0x140: {  	s26 =	sadd.s32 $0x1, s26;
	s1 =	sshll.u32 s7, $0x6;
	[sflag:s25] =	ssyncset.done $0x0  }
0x141: {  	p1 =	sne.s32 s26, s12;
	s1 =	sor.u32 $0x1C0D, s1;
	[sflag:s25] =	ssyncadd.s32 $0xFFFFEC00  }
.Ltmp4:
0x142: {  	s5 =	sshrl.u32 s9, $0x3;
	[bflag:$0x0] =	sbarrier.arrive $0xFFFF;
	(pc) =	sbr.rel @p1 .LBB2_1-.Ltmp4, $4  }
0x143: {  	[hbm:s11], [sflag:s1] =	dma.local [spmem:s5], $0x2710  }
0x144: {  	_ =	swait.ge [sflag:s28], $0x2710  }
0x145: {  	[sflag:s28] =	ssyncset.done $0x0  }
0x146: {  	[sflag:s28] =	ssyncadd.s32 $0xFFFFD8F0  }
0x147: {  	_ =	sfence.sel $0x180000  }
0x148: {  	[bflag:$0x0] =	sbarrier.arrive $0xFFFF  }
0x149: {  	_ =	strace $0x9000004A  }
0x14a: {  	s0 =	stileid.u32;
	[bflag:$0x2] =	sbarrier.arrive $0xFFFF  }
0x14b: {  	p0 =	sne.s32 s0, $0x0;
	s0 =	rddreg [dreg:$0x3]  }
0x14c: {  	s0 =	sadd.s32 @!p0 $0x100000, s0  }
0x14d: {  	[sflag:s0] =	ssyncadd.tile.s32 @!p0 $0x1;
	_ =	shalt  }
.Lfunc_end2:
_tile_overlayer_lowered:
.L_overlay_start_2:
0x14e: {  	(tag) =	ssettag $0x2  }
0x14f: {  	s0 =	rddreg [dreg:$0x0];
	s2 =	stileid.u32  }
0x150: {  	s1 =	rddreg [dreg:$0x1];
	p0 =	sne.s32 s2, $0x0  }
0x151: {  	s3 =	rddreg [dreg:$0x2];
	[bflag:$0x3] =	sbarrier.arrive $0xFFFF;
	s2 =	simm.s32 @!p0 $0x1C0D  }
0x152: {  	[timem:s3], [sflag:s2] =	dma.local @!p0 [hbm:s0], s1  }
0x153: {  	s0 =	simm.s32 @!p0 $0xD  }
0x154: {  	_ =	swait.ge @!p0 [sflag:s0], s1  }
0x155: {  	s1 =	ssub.s32 @!p0 $0x0, s1;
	[sflag:s0] =	ssyncset.done @!p0 $0x0  }
0x156: {  	[sflag:s0] =	ssyncadd.s32 @!p0 s1  }
0x157: {  	[bflag:$0x3] =	sbarrier.arrive $0xFFFF  }
0x158: {  	_ =	shalt  }

// kernel: kernel.8.cloned.1.call-start
scs
__scs_entry_jumppad:
0x0: {  	(pc) =	sbr.rel $0x88, $3  }
0x1: {  	(tag) =	ssettag $0x0;
	lr =	simm.s32 $0x1  }
0x2: {  	[smem:$0x3F9D] =	sst lr;
	_ =	strace $0xD0000000  }
0x3: {  	_ = 	snop  }
0x4: {  	_ = 	snop  }
0x5: {  	_ = 	snop  }
0x6: {  	_ = 	snop  }
0x7: {  	_ = 	snop  }
__scs_overlays_trampoline_lowered:
0x8: {  	[smem:$0x3FAC] =	sst s0  }
0x9: {  	[smem:$0x3FAD] =	sst s1  }
0xa: {  	[smem:$0x3FAE] =	sst s2  }
0xb: {  	[smem:$0x3FAF] =	sst s3  }
0xc: {  	[smem:$0x3FB0] =	sst s4  }
0xd: {  	[smem:$0x3FB1] =	sst s5  }
0xe: {  	[smem:$0x3FB2] =	sst s6  }
0xf: {  	[smem:$0x3FB3] =	sst s7  }
0x10: {  	[smem:$0x3FB4] =	sst s8  }
0x11: {  	[smem:$0x3FB5] =	sst s9;
	s0 =	simm.s32 @!p0 $0x0  }
0x12: {  	s1 =	sld [smem:$0x3F9B];
	s0 =	simm.s32 @p0 $0x1  }
0x13: {  	[smem:$0x3FB6] =	sst s0;
	s0 =	simm.s32 @!p1 $0x0  }
0x14: {  	s2 =	sld [smem:$0x3F9A];
	s0 =	simm.s32 @p1 $0x1  }
0x15: {  	[smem:$0x3FB7] =	sst s0;
	s0 =	simm.s32 @!p2 $0x0  }
0x16: {  	s3 =	sld [smem:$0x3FDB];
	s0 =	simm.s32 @p2 $0x1  }
0x17: {  	s4 =	simm.s32 $0x1BF5;
	[smem:$0x3FB9] =	sst s0  }
0x18: {  	s0 =	sld [smem:$0x3F9C];
	_ =	swait.ge [sflag:s4], $0x0  }
0x19: {  	s7 =	sld [smem:$0x3F9D]  }
0x1a: {  	s8 =	sadd.s32 $0xFFFFE003, lr  }
0x1b: {  	s9 =	sadd.s32 $0xFFFFFEF7, lr;
	s5 =	simm.s32 $0xFFFFFFFF;
	p2 =	slt.u32 s8, $0xFFFFF086  }
0x1c: {  	p1 =	slt.u32 s9, $0xF7A;
	s5 =	simm.s32 @!p2 $0x0  }
0x1d: {  	s5 =	simm.s32 @p1 $0x1;
	p0 =	seq.s32 s7, s2  }
0x1e: {  	s7 =	smul.u32 @!p0 $0xF7A, s2;
	p2 =	seq.s32 @!p0 s5, $0x0  }
0x1f: {  	s9 =	smul.u32 $0xF7A, s1;
	s8 =	simm.s32 @!p0 $0x1BF5;
	p2 =	por !p2, p0  }
0x20: {  	[sflag:s8] =	ssyncset.s32 @!p0 $0xFFFFF086;
	s6 =	sadd.s32 @!p0 s3, s7;
	s7 =	simm.s32 @!p0 $0x108  }
0x21: {  	s3 =	sadd.s32 s3, s9;
	s6 =	sadd.s32 @!p0 $0x88, s6;
	s7 =	simm.s32 @p2 $0x1082  }
0x22: {  	[simem:s7], [sflag:s8] =	dma.local @!p0 [hbm:s6], $0xF7A  }
0x23: {  	s9 =	sor.u32 $0xD0000000, s2;
	s6 =	simm.s32 $0x108;
	_ =	swait.ge @!p0 [sflag:s8], $0x0  }
0x24: {  	s3 =	sadd.s32 $0x88, s3;
	s6 =	simm.s32 @!p1 $0x1082;
	[sflag:s4] =	ssyncset.s32 $0xFFFFF086  }
0x25: {  	[simem:s6], [sflag:s4] =	dma.local [hbm:s3], $0xF7A  }
0x26: {  	[smem:$0x3F9D] =	sst s1;
	(tag) =	ssettag s2;
	_ =	strace s9  }
0x27: {  	s1 =	sld [smem:$0x3FAD]  }
0x28: {  	s2 =	sld [smem:$0x3FAE]  }
0x29: {  	s4 =	sld [smem:$0x3FB0]  }
0x2a: {  	p0 =	seq.s32 s5, $0x0;
	s5 =	sld [smem:$0x3FB1]  }
0x2b: {  	s6 =	sld [smem:$0x3FB2]  }
0x2c: {  	s7 =	sld [smem:$0x3FB3]  }
0x2d: {  	s3 =	simm.s32 $0x108;
	s8 =	sld [smem:$0x3FB4]  }
0x2e: {  	s3 =	simm.s32 @!p0 $0x1082;
	s9 =	sld [smem:$0x3FB5]  }
0x2f: {  	lr =	sadd.s32 s0, s3;
	s0 =	sld [smem:$0x3FAC]  }
0x30: {  	s3 =	sld [smem:$0x3FAF]  }
0x31: {  	[smem:$0x3FB8] =	sst s10  }
0x32: {  	s10 =	sld [smem:$0x3FB6];
	_ =	sdelay $0x3  }
0x33: {  	p0 =	seq.s32 s10, $0x1;
	s10 =	sld [smem:$0x3FB8];
	_ =	sdelay $0x3  }
0x34: {  	[smem:$0x3FB8] =	sst s10  }
0x35: {  	s10 =	sld [smem:$0x3FB7];
	_ =	sdelay $0x3  }
0x36: {  	p1 =	seq.s32 s10, $0x1;
	s10 =	sld [smem:$0x3FB8];
	_ =	sdelay $0x3  }
0x37: {  	[smem:$0x3FB8] =	sst s10  }
0x38: {  	s10 =	sld [smem:$0x3FB9]  }
0x39: {  	_ = 	snop;
	(pc) =	sbr.ind lr, $3  }
0x3a: {  	_ = 	snop  }
0x3b: {  	_ = 	snop  }
0x3c: {  	p2 =	seq.s32 s10, $0x1;
	s10 =	sld [smem:$0x3FB8]  }
0x3d: {  	_ =	shalt  }
0x3e: {  	_ =	shalt  }
0x3f: {  	_ =	shalt  }
0x40: {  	_ =	shalt  }
0x41: {  	_ =	shalt  }
0x42: {  	_ =	shalt  }
0x43: {  	_ =	shalt  }
0x44: {  	_ =	shalt  }
0x45: {  	_ =	shalt  }
0x46: {  	_ =	shalt  }
0x47: {  	_ =	shalt  }
0x48: {  	_ =	shalt  }
0x49: {  	_ =	shalt  }
0x4a: {  	_ =	shalt  }
0x4b: {  	_ =	shalt  }
0x4c: {  	_ =	shalt  }
0x4d: {  	_ =	shalt  }
0x4e: {  	_ =	shalt  }
0x4f: {  	_ =	shalt  }
0x50: {  	_ =	shalt  }
0x51: {  	_ =	shalt  }
0x52: {  	_ =	shalt  }
0x53: {  	_ =	shalt  }
0x54: {  	_ =	shalt  }
0x55: {  	_ =	shalt  }
0x56: {  	_ =	shalt  }
0x57: {  	_ =	shalt  }
0x58: {  	_ =	shalt  }
0x59: {  	_ =	shalt  }
0x5a: {  	_ =	shalt  }
0x5b: {  	_ =	shalt  }
0x5c: {  	_ =	shalt  }
0x5d: {  	_ =	shalt  }
0x5e: {  	_ =	shalt  }
0x5f: {  	_ =	shalt  }
0x60: {  	_ =	shalt  }
0x61: {  	_ =	shalt  }
0x62: {  	_ =	shalt  }
0x63: {  	_ =	shalt  }
0x64: {  	_ =	shalt  }
0x65: {  	_ =	shalt  }
0x66: {  	_ =	shalt  }
0x67: {  	_ =	shalt  }
0x68: {  	_ =	shalt  }
0x69: {  	_ =	shalt  }
0x6a: {  	_ =	shalt  }
0x6b: {  	_ =	shalt  }
0x6c: {  	_ =	shalt  }
0x6d: {  	_ =	shalt  }
0x6e: {  	_ =	shalt  }
0x6f: {  	_ =	shalt  }
0x70: {  	_ =	shalt  }
0x71: {  	_ =	shalt  }
0x72: {  	_ =	shalt  }
0x73: {  	_ =	shalt  }
0x74: {  	_ =	shalt  }
0x75: {  	_ =	shalt  }
0x76: {  	_ =	shalt  }
0x77: {  	_ =	shalt  }
0x78: {  	_ =	shalt  }
0x79: {  	_ =	shalt  }
0x7a: {  	_ =	shalt  }
0x7b: {  	_ =	shalt  }
0x7c: {  	_ =	shalt  }
0x7d: {  	_ =	shalt  }
0x7e: {  	_ =	shalt  }
0x7f: {  	_ =	shalt  }
0x80: {  	_ =	shalt  }
0x81: {  	_ =	shalt  }
0x82: {  	_ =	shalt  }
0x83: {  	_ =	shalt  }
0x84: {  	_ =	shalt  }
0x85: {  	_ =	shalt  }
0x86: {  	_ =	shalt  }
0x87: {  	_ =	shalt  }
.Lfunc_end0:
.L_simem_size_0:
called_computation_lowered:
.L_overlay_start_0:
0x88: {  	s2 =	sld [smem:$0x3FD9]  }
0x89: {  	s3 =	sld [smem:$0x3FFE];
	_ =	sdelay $0x1  }
0x8a: {  	s1 =	srdreg.scid  }
0x8b: {  	s0 =	sand.u32 $0x1, s1  }
0x8c: {  	s16 =	sshll.u32 s0, $0xA;
	s2 =	sadd.s32 s3, s2  }
0x8d: {  	s2 =	sadd.s32 s2, s16  }
0x8e: {  	[smem:$0x3FC4] =	sst s2  }
0x8f: {  	_ = 	snop  }
0x90: {  	(tm) =	ssettm $0x1  }
0x91: {  	s17 =	sld [smem:$0x3FFB];
	_ =	sdelay $0x3  }
0x92: {  	_ =	strace s17  }
0x93: {  	s2 =	sld [smem:$0x3FFC];
	_ =	sdelay $0x3  }
0x94: {  	_ =	strace s2  }
0x95: {  	s2 =	sld [smem:$0x3FFD];
	_ =	sdelay $0x3  }
0x96: {  	_ =	strace s2  }
0x97: {  	_ =	strace $0x8FFFFFFF  }
0x98: {  	s18 =	sld [smem:$0x3FDB];
	_ =	sdelay $0x1  }
0x99: {  	s19 =	simm.s32 $_scs_section_size  }
0x9a: {  	s4 =	simm.s32 $_size__tile_overlayer_lowered;
	s5 =	simm.s32 $_tile_overlayer_lowered  }
0x9b: {  	s22 =	simm.s32 $0x1BFF;
	s21 =	sshll.u32 s5, $0x1;
	s2 =	sadd.s32 s19, s18  }
0x9c: {  	s6 =	simm.s32 $0x0;
	s20 =	sshll.u32 s4, $0x1;
	s4 =	sadd.s32 s21, s2  }
0x9d: {  	[timem:s6], [sflag:s22] =	dma.local [hbm:s4], s20  }
0x9e: {  	_ =	swait.ge [sflag:s22], s20  }
0x9f: {  	s3 =	ssub.s32 $0x0, s20;
	[sflag:s22] =	ssyncset.done $0x0  }
0xa0: {  	[sflag:s22] =	ssyncadd.s32 s3;
	_ =	sdelay $0x1  }
0xa1: {  	s23 =	simm.s32 $0x1B8B  }
0xa2: {  	_ =	swait.ge [sflag:s23], $0x1  }
0xa3: {  	[sflag:s23] =	ssyncset.done $0x0  }
0xa4: {  	s25 =	simm.s32 $0x1B8E;
	s24 =	sld [smem:$0x3FFE];
	[sflag:s23] =	ssyncadd.s32 $0xFFFFFFFF  }
0xa5: {  	s26 =	simm.s32 $execute0_lowered;
	[smem:$0x3FD2] =	sst s25  }
0xa6: {  	s4 =	sshll.u32 s26, $0x1;
	_ =	strace $0x80000046;
	[dreg:$0x1] =	wrdreg $0xFFFFFFFF  }
0xa7: {  	s28 =	simm.s32 $_size_execute0_lowered;
	s2 =	sadd.s32 s2, s4;
	[dreg:$0x0] =	wrdreg $0x0  }
0xa8: {  	s4 =	sshll.u32 s28, $0x1;
	[dreg:$0x2] =	wrdreg s2  }
0xa9: {  	[dreg:$0x3] =	wrdreg s4  }
0xaa: {  	[dreg:$0x4] =	wrdreg $0xC0  }
0xab: {  	_ =	task [dreg:s6], $0x5FFFF  }
0xac: {  	[dreg:$0x1] =	wrdreg $0xFFFFFFFF  }
0xad: {  	[dreg:$0x0] =	wrdreg $0x60  }
0xae: {  	[dreg:$0x2] =	wrdreg s24  }
0xaf: {  	[dreg:$0x3] =	wrdreg $0x50A00  }
0xb0: {  	[dreg:$0x4] =	wrdreg $0x9  }
0xb1: {  	_ =	task.clear_ibuf [dreg:s6], $0x5FFFF;
	_ =	strace $0x90000046  }
0xb2: {  	s29 =	simm.s32 $0x9;
	_ =	strace $0x80000048  }
0xb3: {  	_ =	swait.ge [sflag:s29], $0x1  }
0xb4: {  	[sflag:s29] =	ssyncadd.s32 $0xFFFFFFFF  }
0xb5: {  	_ =	strace $0x90000048  }
0xb6: {  	_ =	sfence  }
0xb7: {  	s30 =	sld [smem:$0x0];
	_ =	sdelay $0x2  }
0xb8: {  	s31 =	sshll.u32 s1, $0xD;
	s1 =	sshrl.u32 s1, $0x2  }
0xb9: {  	s3 =	sand.u32 $0x4000, s31;
	s1 =	sadd.s32 s1, s30  }
0xba: {  	s0 =	sor.u32 s3, s0;
	s1 =	sshll.u32 s1, $0x11  }
0xbb: {  	s0 =	sor.u32 s1, s0  }
0xbc: {  	s0 =	sadd.s32 $0x8F2B, s0  }
0xbd: {  	[sflag:s0] =	ssyncadd.remote.s32 $0x1  }
0xbe: {  	_ =	sfence.sel $0xFFFF  }
0xbf: {  	[dreg:$0x0] =	wrdreg $0xFFFFFFFF;
	(pc) =	sbr.abs _section_cstart, $3  }
0xc0: {  	[dreg:$0x1] =	wrdreg $0xFFFFFFFF  }
0xc1: {  	_ =	task.clear_ibuf [dreg:s6], $0x2FFFF;
	_ =	strace $0x9FFFFFFF  }
0xc2: {  	(tm) =	ssettm $0x7FFFFFFF  }
0xc3: {  	_ =	shalt  }
tec
execute0_lowered:
.L_overlay_start_1:
0x0: {  	(tag) =	ssettag $0x1  }
0x1: {  	s4 =	rddreg [dreg:$0x0];
	s0 =	srdreg.scid  }
0x2: {  	s2 =	rddreg [dreg:$0x1];
	s1 =	stileid.u32  }
0x3: {  	s3 =	simm.s32 $0x0;
	s10 =	simm.s32 $0x28;
	s11 =	simm.s32 $0x2710  }
0x4: {  	s12 =	simm.s32 $0x1;
	s15 =	simm.s32 $0x10;
	s16 =	simm.s32 $0x0  }
0x5: {  	s5 =	sand.u32 $0x1, s0;
	s0 =	rddreg [dreg:$0x2];
	s8 =	smul.u32 $0x13880, s1  }
0x6: {  	s6 =	sshll.u32 s1, $0x1;
	[smem:$0x7FF] =	sst s3;
	s30 =	smul.u32 $0x9C40, s1  }
0x7: {  	s13 =	sshll.u32 s1, $0x6;
	s7 =	smul.u32 $0x138800, s5;
	s6 =	sor.u32 s5, s6  }
0x8: {  	_ =	strace $0x80000047;
	s5 =	ssub.s32 $0x2, s5;
	s6 =	smul.u32 $0x4E2, s6  }
0x9: {  	s13 =	sor.u32 $0x1C02, s13;
	s31 =	sshrl.u32 s5, $0x1;
	s7 =	sadd.s32 s8, s7  }
0xa: {  	s8 =	sshrl.u32 s30, $0x2;
	s9 =	ssub.s32 s5, s31;
	s6 =	sadd.s32 s6, s4  }
0xb: {  	s7 =	sshrl.u32 s7, $0x3;
	s5 =	sadd.s32 s8, s2;
	s8 =	simm.s32 $0x2  }
0xc: {  	s7 =	sadd.s32 s7, s4;
	s4 =	sadd.s32 $0x2200, s6;
	s14 =	sshrl.u32 s5, $0x3  }
0xd: {  	v0 =	vimm.f32 $1.000000000e+00;
	v1 =	vimm.f32 $0.0e+00;
	s6 =	sadd.s32 $0x15E00, s7;
	s7 =	smax.u32 s9, $0x1;
	s9 =	simm.s32 $0x2990  }
.LBB2_1:
0xe: {  	[tilespmem:s3], [sflag:$0x2] =	stream.linear.gather [hbm4b:s4+s3], $0x2710, $0x38;
	[tilespmem:$0x77B0] =	vst v63  }
0xf: {  	_ =	swait.ge [sflag:s8], $0x2710  }
0x10: {  	[sflag:s8] =	ssyncset.done $0x0  }
0x11: {  	[sflag:s8] =	ssyncadd.s32 $0xFFFFD8F0  }
0x12: {  	[tilespmem:$0x2710] =	vst v0  }
0x13: {  	[tilespmem:$0x2720] =	vst v0  }
0x14: {  	[tilespmem:$0x2730] =	vst v0  }
0x15: {  	[tilespmem:$0x2740] =	vst v0  }
0x16: {  	[tilespmem:$0x2750] =	vst v0  }
0x17: {  	[tilespmem:$0x2760] =	vst v0  }
0x18: {  	[tilespmem:$0x2770] =	vst v0  }
0x19: {  	[tilespmem:$0x2780] =	vst v0  }
0x1a: {  	[tilespmem:$0x2790] =	vst v0  }
0x1b: {  	[tilespmem:$0x27A0] =	vst v0  }
0x1c: {  	[tilespmem:$0x27B0] =	vst v0  }
0x1d: {  	[tilespmem:$0x27C0] =	vst v0  }
0x1e: {  	[tilespmem:$0x27D0] =	vst v0  }
0x1f: {  	[tilespmem:$0x27E0] =	vst v0  }
0x20: {  	[tilespmem:$0x27F0] =	vst v0  }
0x21: {  	[tilespmem:$0x2800] =	vst v0  }
0x22: {  	[tilespmem:$0x2810] =	vst v0  }
0x23: {  	[tilespmem:$0x2820] =	vst v0  }
0x24: {  	[tilespmem:$0x2830] =	vst v0  }
0x25: {  	[tilespmem:$0x2840] =	vst v0  }
0x26: {  	[tilespmem:$0x2850] =	vst v0  }
0x27: {  	[tilespmem:$0x2860] =	vst v0  }
0x28: {  	[tilespmem:$0x2870] =	vst v0  }
0x29: {  	[tilespmem:$0x2880] =	vst v0  }
0x2a: {  	[tilespmem:$0x2890] =	vst v0  }
0x2b: {  	[tilespmem:$0x28A0] =	vst v0  }
0x2c: {  	[tilespmem:$0x28B0] =	vst v0  }
0x2d: {  	[tilespmem:$0x28C0] =	vst v0  }
0x2e: {  	[tilespmem:$0x28D0] =	vst v0  }
0x2f: {  	[tilespmem:$0x28E0] =	vst v0  }
0x30: {  	[tilespmem:$0x28F0] =	vst v0  }
0x31: {  	[tilespmem:$0x2900] =	vst v0  }
0x32: {  	[tilespmem:$0x2910] =	vst v0  }
0x33: {  	[tilespmem:$0x2920] =	vst v0  }
0x34: {  	[tilespmem:$0x2930] =	vst v0  }
0x35: {  	[tilespmem:$0x2940] =	vst v0  }
0x36: {  	[tilespmem:$0x2950] =	vst v0  }
0x37: {  	[tilespmem:$0x2960] =	vst v0  }
0x38: {  	[tilespmem:$0x2970] =	vst v0  }
0x39: {  	s17 =	simm.s32 $0x40;
	s18 =	simm.s32 $0x0;
	[tilespmem:$0x2980] =	vst v0  }
.LBB2_2:
0x3a: {  	p0 =	sne.s32 s17, $0x9C00;
	[tilespmem:s18+$0x2990] =	vst v1;
	s18 =	smov.u32 s17;
	s17 =	sadd.s32 $0x40, s17  }
.Ltmp0:
0x3b: {  	(pc) =	sbr.rel @p0 .LBB2_2-.Ltmp0, $2  }
0x3c: {  	_ =	sdelay $0x2  }
0x3d: {  	s18 =	sshra.s32 s18, $0x2  }
0x3e: {  	[tilespmem:s18+$0x2990] =	vst v1  }
0x3f: {  	[spmem:s5] =	stream.linear.scatter [tilespmem:s9], [sflag:$0x2], $0x2710, $0x38;
	[tilespmem:$0x77B0] =	vst v63  }
0x40: {  	_ =	swait.ge [sflag:s8], $0x2710  }
0x41: {  	[sflag:s8] =	ssyncset.done $0x0  }
0x42: {  	p0 =	por $0x1, $0x1;
	[sflag:s8] =	ssyncadd.s32 $0xFFFFD8F0  }
0x43: {  	s18 =	simm.s32 @!p0 $0x1;
	[bflag:$0x0] =	sbarrier.arrive $0xFFFF  }
0x44: {  	_ =	swait.ge @!p0 [sflag:s18], $0x280  }
0x45: {  	s19 =	simm.s32 $0x0;
	[sflag:s18] =	ssyncset.done @!p0 $0x0  }
0x46: {  	s17 =	simm.s32 $0x1;
	[sflag:s18] =	ssyncadd.s32 @!p0 $0xFFFFFD80;
	s18 =	simm.s32 $0x28  }
.LBB2_4:
0x47: {  	[spmem:s2] =	stream.indirect.scatter.add.f32 [tilespmem:s11], [sflag:$0x1], $0x10, s19, s10, $0xb8;
	[tilespmem:$0x77B0] =	vst v63  }
0x48: {  	p0 =	slt.u32 s17, $0x8;
	s17 =	sadd.s32 $0x1, s17  }
0x49: {  	p1 =	sne.s32 s17, $0xFA  }
.Ltmp1:
0x4a: {  	(pc) =	sbr.rel @p1 .LBB2_4-.Ltmp1, $4  }
0x4b: {  	s19 =	smov.u32 s18;
	s20 =	simm.s32 @!p0 $0x1  }
0x4c: {  	_ =	swait.ge @!p0 [sflag:s20], $0x280  }
0x4d: {  	[sflag:s20] =	ssyncset.done @!p0 $0x0  }
0x4e: {  	s18 =	sadd.s32 $0x28, s18;
	[sflag:s20] =	ssyncadd.s32 @!p0 $0xFFFFFD80  }
0x4f: {  	[spmem:s2] =	stream.indirect.scatter.add.f32 [tilespmem:s11], [sflag:$0x1], $0x10, s19, s10, $0xb8;
	[tilespmem:$0x77B0] =	vst v63  }
0x50: {  	_ =	swait.ge [sflag:s12], $0x280  }
0x51: {  	[sflag:s12] =	ssyncset.done $0x0  }
0x52: {  	[sflag:s12] =	ssyncadd.s32 $0xFFFFFD80  }
0x53: {  	_ =	swait.ge [sflag:s12], $0x280  }
0x54: {  	[sflag:s12] =	ssyncset.done $0x0  }
0x55: {  	[sflag:s12] =	ssyncadd.s32 $0xFFFFFD80  }
0x56: {  	_ =	swait.ge [sflag:s12], $0x280  }
0x57: {  	[sflag:s12] =	ssyncset.done $0x0  }
0x58: {  	[sflag:s12] =	ssyncadd.s32 $0xFFFFFD80  }
0x59: {  	_ =	swait.ge [sflag:s12], $0x280  }
0x5a: {  	[sflag:s12] =	ssyncset.done $0x0  }
0x5b: {  	[sflag:s12] =	ssyncadd.s32 $0xFFFFFD80  }
0x5c: {  	_ =	swait.ge [sflag:s12], $0x280  }
0x5d: {  	[sflag:s12] =	ssyncset.done $0x0  }
0x5e: {  	[sflag:s12] =	ssyncadd.s32 $0xFFFFFD80  }
0x5f: {  	_ =	swait.ge [sflag:s12], $0x280  }
0x60: {  	[sflag:s12] =	ssyncset.done $0x0  }
0x61: {  	[sflag:s12] =	ssyncadd.s32 $0xFFFFFD80  }
0x62: {  	_ =	swait.ge [sflag:s12], $0x280  }
0x63: {  	[sflag:s12] =	ssyncset.done $0x0  }
0x64: {  	[sflag:s12] =	ssyncadd.s32 $0xFFFFFD80  }
0x65: {  	_ =	swait.ge [sflag:s12], $0x280  }
0x66: {  	s16 =	sadd.s32 $0x1, s16;
	[sflag:s12] =	ssyncset.done $0x0  }
0x67: {  	p0 =	sne.s32 s16, s7;
	[sflag:s12] =	ssyncadd.s32 $0xFFFFFD80  }
.Ltmp2:
0x68: {  	[bflag:$0x0] =	sbarrier.arrive $0xFFFF;
	(pc) =	sbr.rel @p0 .LBB2_1-.Ltmp2, $4  }
0x69: {  	[hbm:s6@s15], [sflag:s13] =	dma.strided [spmem:s14@s8], $0x4E2, s12, $0x2   }
0x6a: {  	_ =	swait.ge [sflag:s8], $0x4E2  }
0x6b: {  	[sflag:s8] =	ssyncset.done $0x0  }
0x6c: {  	[sflag:s8] =	ssyncadd.s32 $0xFFFFFB1E  }
0x6d: {  	_ =	sfence.sel $0x180000  }
0x6e: {  	[bflag:$0x0] =	sbarrier.arrive $0xFFFF  }
0x6f: {  	p0 =	sne.s32 s1, $0x0;
	_ =	strace $0x90000047  }
0x70: {  	s0 =	sadd.s32 @!p0 $0x100000, s0;
	[bflag:$0x2] =	sbarrier.arrive $0xFFFF  }
0x71: {  	[sflag:s0] =	ssyncadd.tile.s32 @!p0 $0x1;
	_ =	shalt  }
.Lfunc_end2:
_tile_overlayer_lowered:
.L_overlay_start_2:
0x72: {  	(tag) =	ssettag $0x2  }
0x73: {  	s0 =	rddreg [dreg:$0x0];
	s2 =	stileid.u32  }
0x74: {  	s1 =	rddreg [dreg:$0x1];
	p0 =	sne.s32 s2, $0x0  }
0x75: {  	s3 =	rddreg [dreg:$0x2];
	[bflag:$0x3] =	sbarrier.arrive $0xFFFF;
	s2 =	simm.s32 @!p0 $0x1C02  }
0x76: {  	[timem:s3], [sflag:s2] =	dma.local @!p0 [hbm:s0], s1  }
0x77: {  	s0 =	simm.s32 @!p0 $0x2  }
0x78: {  	_ =	swait.ge @!p0 [sflag:s0], s1  }
0x79: {  	s1 =	ssub.s32 @!p0 $0x0, s1;
	[sflag:s0] =	ssyncset.done @!p0 $0x0  }
0x7a: {  	[sflag:s0] =	ssyncadd.s32 @!p0 s1  }
0x7b: {  	[bflag:$0x3] =	sbarrier.arrive $0xFFFF  }
0x7c: {  	_ =	shalt  }

</sc_bundles>
